<compile_context>
chip_gen: v7x
topology: tpu7x:2x2x1
jax: 0.10.2.dev20260603
libtpu: 0.0.44.dev20260713+nightly
codegen_flags: <defaults>
</compile_context>

<pallas_src>
import functools

import jax
import jax.numpy as jnp
from jax import lax
from jax.experimental import pallas as pl
from jax.experimental.pallas import tpu as pltpu
from jax.experimental.pallas import tpu_sc as plsc

_N = 10000
_NP = 10240
_E = 320000
_F = 128
_G = 64
_NW = 32
_CHUNK = 128
_NCHUNK = 79
_EP = _NW * _NCHUNK * _CHUNK
_RPT = _NP // 16



def _sc_degree_body(dst_hbm, deg_out, dst_v, hist):
    c = lax.axis_index("c")
    s = lax.axis_index("s")
    wid = s * 2 + c
    zeros16 = jnp.zeros((16,), jnp.float32)

    def zinit(i, carry):
        hist[pl.ds(i * 16, 16)] = zeros16
        return carry

    lax.fori_loop(0, _NP // 16, zinit, 0)
    pltpu.sync_copy(dst_hbm.at[wid], dst_v)
    ones16 = jnp.ones((16,), jnp.float32)

    def body(j, carry):
        for k in range(_CHUNK // 16):
            idx = dst_v[j, pl.ds(k * 16, 16)]
            plsc.addupdate_scatter(hist, [idx], ones16)
        return carry

    lax.fori_loop(0, _NCHUNK, body, 0)
    pltpu.sync_copy(hist, deg_out.at[wid])


def _sc_degree(dst3):
    mesh = plsc.VectorSubcoreMesh(core_axis_name="c", subcore_axis_name="s")
    fn = functools.partial(
        pl.kernel,
        out_type=jax.ShapeDtypeStruct((_NW, _NP), jnp.float32),
        mesh=mesh,
        scratch_types=[
            pltpu.VMEM((_NCHUNK, _CHUNK), jnp.int32),
            pltpu.VMEM((_NP,), jnp.float32),
        ],
        compiler_params=pltpu.CompilerParams(needs_layout_passes=False),
    )(_sc_degree_body)
    return fn(dst3)


def _sc_agg_body(hs_hbm, src_hbm, dst_hbm, part_out, src_v, dst_v, rows, acc,
                 sem):
    c = lax.axis_index("c")
    s = lax.axis_index("s")
    wid = s * 2 + c
    zeros16 = jnp.zeros((16,), jnp.float32)

    def zrow(i, carry):
        for k in range(_F // 16):
            rows[i, pl.ds(k * 16, 16)] = zeros16
        return carry

    lax.fori_loop(0, _CHUNK, zrow, 0)
    for b in range(_RPT // _CHUNK):
        pltpu.sync_copy(rows, acc.at[pl.ds((s * 5 + b) * _CHUNK, _CHUNK)])
    plsc.subcore_barrier()

    pltpu.sync_copy(src_hbm.at[wid], src_v)
    pltpu.sync_copy(dst_hbm.at[wid], dst_v)

    def body(j, carry):
        pltpu.async_copy(hs_hbm.at[src_v.at[j]], rows, sem).wait()
        pltpu.sync_copy(rows, acc.at[dst_v.at[j]], add=True)
        return carry

    lax.fori_loop(0, _NCHUNK, body, 0)
    plsc.subcore_barrier()
    pltpu.sync_copy(
        acc.at[pl.ds(s * _RPT, _RPT)],
        part_out.at[c, pl.ds(s * _RPT, _RPT)],
    )


def _sc_agg(hs, src3, dst3):
    mesh = plsc.VectorSubcoreMesh(core_axis_name="c", subcore_axis_name="s")
    fn = functools.partial(
        pl.kernel,
        out_type=jax.ShapeDtypeStruct((2, _NP, _F), jnp.float32),
        mesh=mesh,
        scratch_types=[
            pltpu.VMEM((_NCHUNK, _CHUNK), jnp.int32),
            pltpu.VMEM((_NCHUNK, _CHUNK), jnp.int32),
            pltpu.VMEM((_CHUNK, _F), jnp.float32),
            pltpu.VMEM_SHARED((_NP, _F), jnp.float32),
            pltpu.SemaphoreType.DMA,
        ],
        compiler_params=pltpu.CompilerParams(needs_layout_passes=False),
    )(_sc_agg_body)
    return fn(hs, src3, dst3)



def _tc1_body(degp, x, w1, dinv_out, h1_out):
    deg = jnp.sum(degp[...], axis=0, keepdims=True) + 1.0
    dinv_out[...] = lax.rsqrt(deg)
    h1_out[...] = jnp.dot(x[...], w1[...], preferred_element_type=jnp.float32)


def _tc1(deg_parts, x, W1):
    return pl.pallas_call(
        _tc1_body,
        out_shape=(
            jax.ShapeDtypeStruct((1, _NP), jnp.float32),
            jax.ShapeDtypeStruct((_N, _F), jnp.float32),
        ),
    )(deg_parts, x, W1)


def _tc_scale_body(h, dinv, hs_out):
    hs_out[...] = h[...] * dinv[...]


def _tc_scale(h1, dinv_col):
    return pl.pallas_call(
        _tc_scale_body,
        out_shape=jax.ShapeDtypeStruct((_N, _F), jnp.float32),
    )(h1, dinv_col)


def _bn_relu(h, g, be):
    mu = jnp.mean(h, axis=0, keepdims=True)
    d = h - mu
    var = jnp.mean(d * d, axis=0, keepdims=True)
    return jnp.maximum(g * d * lax.rsqrt(var + 1e-5) + be, 0.0)


def _neigh_sum(p, hs):
    return p[0, : _N, :] + p[1, : _N, :] + hs[...]


def _tc_mid_body(p, hs, dinv, b, g, be, w, hs_next_out):
    h = _neigh_sum(p, hs) * dinv[...] + b[...]
    hr = _bn_relu(h, g[...], be[...])
    hs_next_out[...] = (
        jnp.dot(hr, w[...], preferred_element_type=jnp.float32) * dinv[...]
    )


def _tc_mid(p, hs, dinv_col, b, g, be, W):
    return pl.pallas_call(
        _tc_mid_body,
        out_shape=jax.ShapeDtypeStruct((_N, _F), jnp.float32),
    )(p, hs, dinv_col, b, g, be, W)


def _tc_final_body(p, hs, dinv, b, g, be, batch_t, l1w, l1b, l2w, l2b, out):
    h = _neigh_sum(p, hs) * dinv[...] + b[...]
    hr = _bn_relu(h, g[...], be[...])
    ids = lax.broadcasted_iota(jnp.int32, (_G, _N), 0)
    onehot = (ids == batch_t[...]).astype(jnp.float32)
    cnt = jnp.sum(onehot, axis=1, keepdims=True)
    pooled = jnp.dot(onehot, hr, preferred_element_type=jnp.float32)
    pooled = pooled / jnp.maximum(cnt, 1.0)
    hm = jnp.maximum(
        jnp.dot(pooled, l1w[...], preferred_element_type=jnp.float32) + l1b[...],
        0.0,
    )
    out[...] = jnp.dot(hm, l2w[...], preferred_element_type=jnp.float32) + l2b[...]


def _tc_final(p, hs, dinv_col, b, g, be, batch_t, L1w, L1b, L2w, L2b):
    return pl.pallas_call(
        _tc_final_body,
        out_shape=jax.ShapeDtypeStruct((_G, _F), jnp.float32),
    )(p, hs, dinv_col, b, g, be, batch_t, L1w, L1b, L2w, L2b)



def kernel(x, edge_index, batch, W1, b1, g1, be1, W2, b2, g2, be2, W3, b3, g3,
           be3, L1w, L1b, L2w, L2b):
    pad = _EP - _E
    src3 = jnp.concatenate(
        [edge_index[0], jnp.zeros((pad,), jnp.int32)]).reshape(_NW, _NCHUNK, _CHUNK)
    dst3 = jnp.concatenate(
        [edge_index[1], jnp.full((pad,), _N, jnp.int32)]).reshape(_NW, _NCHUNK, _CHUNK)
    batch_t = batch.reshape(1, _N)
    b1r, g1r, be1r = b1.reshape(1, _F), g1.reshape(1, _F), be1.reshape(1, _F)
    b2r, g2r, be2r = b2.reshape(1, _F), g2.reshape(1, _F), be2.reshape(1, _F)
    b3r, g3r, be3r = b3.reshape(1, _F), g3.reshape(1, _F), be3.reshape(1, _F)

    deg_parts = _sc_degree(dst3)
    dinv_row, h1 = _tc1(deg_parts, x, W1)
    dinv_col = dinv_row.reshape(_NP, 1)[: _N]

    hs1 = _tc_scale(h1, dinv_col)
    p1 = _sc_agg(hs1, src3, dst3)
    hs2 = _tc_mid(p1, hs1, dinv_col, b1r, g1r, be1r, W2)
    p2 = _sc_agg(hs2, src3, dst3)
    hs3 = _tc_mid(p2, hs2, dinv_col, b2r, g2r, be2r, W3)
    p3 = _sc_agg(hs3, src3, dst3)
    return _tc_final(p3, hs3, dinv_col, b3r, g3r, be3r, batch_t,
                     L1w, L1b, L2w, L2b)

# --- scband reference (transcript-rebuilt; emitter-appended) ---
"""Pipeline reference for scband-graph-encoder-40750649704917 (READ-ONLY COPY).

The authoritative reference and input builder live on the scoring server;
editing this copy changes nothing except your own understanding.
"""

import jax, jax.numpy as jnp
import numpy as np

N = 10000
E = 320000
F_IN = 128
GHC = 128
NHID = 128
NOUT = 128
G = 64


def setup_inputs(seed: int = 0) -> dict:
    key = jax.random.key(seed)
    ks = jax.random.split(key, 16)
    x = jax.random.normal(ks[0], (N, F_IN), dtype=jnp.float32)
    edge_index = jax.random.randint(ks[1], (2, E), 0, N, dtype=jnp.int32)
    batch = jnp.sort(jax.random.randint(ks[2], (N,), 0, G, dtype=jnp.int32))
    s = 0.05
    W1 = jax.random.normal(ks[3], (F_IN, GHC), dtype=jnp.float32) * s
    b1 = jnp.zeros((GHC,), dtype=jnp.float32)
    W2 = jax.random.normal(ks[4], (GHC, GHC), dtype=jnp.float32) * s
    b2 = jnp.zeros((GHC,), dtype=jnp.float32)
    W3 = jax.random.normal(ks[5], (GHC, GHC), dtype=jnp.float32) * s
    b3 = jnp.zeros((GHC,), dtype=jnp.float32)
    g1 = jnp.ones((GHC,), dtype=jnp.float32); be1 = jnp.zeros((GHC,), dtype=jnp.float32)
    g2 = jnp.ones((GHC,), dtype=jnp.float32); be2 = jnp.zeros((GHC,), dtype=jnp.float32)
    g3 = jnp.ones((GHC,), dtype=jnp.float32); be3 = jnp.zeros((GHC,), dtype=jnp.float32)
    L1w = jax.random.normal(ks[6], (GHC, NHID), dtype=jnp.float32) * s
    L1b = jnp.zeros((NHID,), dtype=jnp.float32)
    L2w = jax.random.normal(ks[7], (NHID, NOUT), dtype=jnp.float32) * s
    L2b = jnp.zeros((NOUT,), dtype=jnp.float32)
    return {"x": x, "edge_index": edge_index, "batch": batch,
            "W1": W1, "b1": b1, "g1": g1, "be1": be1,
            "W2": W2, "b2": b2, "g2": g2, "be2": be2,
            "W3": W3, "b3": b3, "g3": g3, "be3": be3,
            "L1w": L1w, "L1b": L1b, "L2w": L2w, "L2b": L2b}


def _gcn_conv(h_in, edge_index, W, b):
    # GCNConv: x' = D^{-1/2} (A + I) D^{-1/2} X W + b (self-loops added)
    h = h_in @ W
    src = edge_index[0]
    dst = edge_index[1]
    loop = jnp.arange(N, dtype=src.dtype)
    s = jnp.concatenate([src, loop])
    d = jnp.concatenate([dst, loop])
    deg = jax.ops.segment_sum(jnp.ones_like(d, dtype=h.dtype), d, num_segments=N)
    dinv = jnp.where(deg > 0, 1.0 / jnp.sqrt(deg), 0.0)
    norm = dinv[s] * dinv[d]
    msg = h[s] * norm[:, None]
    out = jax.ops.segment_sum(msg, d, num_segments=N)
    return out + b


def _bn(h, gamma, beta, eps=1e-5):
    mu = jnp.mean(h, axis=0)
    var = jnp.var(h, axis=0)
    return gamma * (h - mu) / jnp.sqrt(var + eps) + beta


def reference(x, edge_index, batch, W1, b1, g1, be1, W2, b2, g2, be2, W3, b3, g3, be3, L1w, L1b, L2w, L2b):
    h = _gcn_conv(x, edge_index, W1, b1)
    h = jax.nn.relu(_bn(h, g1, be1))
    h = _gcn_conv(h, edge_index, W2, b2)
    h = jax.nn.relu(_bn(h, g2, be2))
    h = _gcn_conv(h, edge_index, W3, b3)
    h = jax.nn.relu(_bn(h, g3, be3))
    # global mean pool over batch ids
    counts = jax.ops.segment_sum(jnp.ones((N,), dtype=h.dtype), batch, num_segments=G)
    pooled = jax.ops.segment_sum(h, batch, num_segments=G) / jnp.maximum(counts, 1.0)[:, None]
    h = jax.nn.relu(pooled @ L1w + L1b)
    out = h @ L2w + L2b
    return out

if __name__ == "__main__":
    import jax
    _d = setup_inputs()
    print(jax.jit(kernel)(*tuple(_d.values())))

</pallas_src>

<mosaic_0001>
#map = affine_map<(d0, d1) -> (0, 0)>
#map1 = affine_map<(d0, d1) -> (0, 0, 0)>
module attributes {stable_mosaic.version = 14 : i64} {
  func.func @_sc_agg_body(%arg0: i32, %arg1: i32, %arg2: memref<10000x128xf32, #tpu.memory_space<hbm>>, %arg3: memref<32x79x128xi32, #tpu.memory_space<hbm>>, %arg4: memref<32x79x128xi32, #tpu.memory_space<hbm>>, %arg5: memref<2x10240x128xf32, #tpu.memory_space<hbm>>, %arg6: memref<79x128xi32, #tpu.memory_space<vmem>>, %arg7: memref<79x128xi32, #tpu.memory_space<vmem>>, %arg8: memref<128x128xf32, #tpu.memory_space<vmem>>, %arg9: memref<10240x128xf32, #tpu.memory_space<vmem_shared>>, %arg10: memref<!tpu.dma_semaphore, #tpu.memory_space<semaphore_mem>>) attributes {dimension_semantics = [#tpu.dimension_semantics<core_parallel>, #tpu.dimension_semantics<subcore_parallel>], iteration_bounds = array<i64: 2, 16>, scalar_prefetch = 0 : i64, scratch_operands = 5 : i64, tpu.core_type = #tpu.core_type<sc_vector_subcore>, window_params = [{transform_indices = #map}, {transform_indices = #map1}, {transform_indices = #map1}, {transform_indices = #map1}]} {
    %mul3A = arith.constant 2 : i32
    %mul3A_0 = arith.muli %arg1, %mul3A : i32
    %add3A = arith.addi %mul3A_0, %arg0 : i32
    %broadcast_in_dim3A = arith.constant 0.000000e+00 : f32
    %broadcast_in_dim3A_1 = vector.broadcast %broadcast_in_dim3A : f32 to vector<16xf32>
    %scan3A = arith.constant 0 : i32
    %scan3A_2 = arith.constant 0 : i32
    %scan3A_3 = arith.constant 128 : i32
    %scan3A_4 = arith.addi %scan3A_2, %scan3A_3 : i32
    %scan3A_5 = arith.constant 1 : i32
    scf.for %scan3A_48 = %scan3A_2 to %scan3A_4 step %scan3A_5  : i32 {
      %swap3A = arith.index_cast %scan3A_48 : i32 to index
      %swap3A_49 = arith.constant 0 : index
      %swap3A_50 = tpu.vector_load %arg8[%swap3A, %swap3A_49] {strides = array<i32>} : memref<128x128xf32, #tpu.memory_space<vmem>>, vector<16xf32>,
      tpu.vector_store %arg8[%swap3A, %swap3A_49], %broadcast_in_dim3A_1 {strides = array<i32>} : memref<128x128xf32, #tpu.memory_space<vmem>>, vector<16xf32>,
      %swap3A_51 = arith.index_cast %scan3A_48 : i32 to index
      %swap3A_52 = arith.constant 16 : index
      %swap3A_53 = tpu.vector_load %arg8[%swap3A_51, %swap3A_52] {strides = array<i32>} : memref<128x128xf32, #tpu.memory_space<vmem>>, vector<16xf32>,
      tpu.vector_store %arg8[%swap3A_51, %swap3A_52], %broadcast_in_dim3A_1 {strides = array<i32>} : memref<128x128xf32, #tpu.memory_space<vmem>>, vector<16xf32>,
      %swap3A_54 = arith.index_cast %scan3A_48 : i32 to index
      %swap3A_55 = arith.constant 32 : index
      %swap3A_56 = tpu.vector_load %arg8[%swap3A_54, %swap3A_55] {strides = array<i32>} : memref<128x128xf32, #tpu.memory_space<vmem>>, vector<16xf32>,
      tpu.vector_store %arg8[%swap3A_54, %swap3A_55], %broadcast_in_dim3A_1 {strides = array<i32>} : memref<128x128xf32, #tpu.memory_space<vmem>>, vector<16xf32>,
      %swap3A_57 = arith.index_cast %scan3A_48 : i32 to index
      %swap3A_58 = arith.constant 48 : index
      %swap3A_59 = tpu.vector_load %arg8[%swap3A_57, %swap3A_58] {strides = array<i32>} : memref<128x128xf32, #tpu.memory_space<vmem>>, vector<16xf32>,
      tpu.vector_store %arg8[%swap3A_57, %swap3A_58], %broadcast_in_dim3A_1 {strides = array<i32>} : memref<128x128xf32, #tpu.memory_space<vmem>>, vector<16xf32>,
      %swap3A_60 = arith.index_cast %scan3A_48 : i32 to index
      %swap3A_61 = arith.constant 64 : index
      %swap3A_62 = tpu.vector_load %arg8[%swap3A_60, %swap3A_61] {strides = array<i32>} : memref<128x128xf32, #tpu.memory_space<vmem>>, vector<16xf32>,
      tpu.vector_store %arg8[%swap3A_60, %swap3A_61], %broadcast_in_dim3A_1 {strides = array<i32>} : memref<128x128xf32, #tpu.memory_space<vmem>>, vector<16xf32>,
      %swap3A_63 = arith.index_cast %scan3A_48 : i32 to index
      %swap3A_64 = arith.constant 80 : index
      %swap3A_65 = tpu.vector_load %arg8[%swap3A_63, %swap3A_64] {strides = array<i32>} : memref<128x128xf32, #tpu.memory_space<vmem>>, vector<16xf32>,
      tpu.vector_store %arg8[%swap3A_63, %swap3A_64], %broadcast_in_dim3A_1 {strides = array<i32>} : memref<128x128xf32, #tpu.memory_space<vmem>>, vector<16xf32>,
      %swap3A_66 = arith.index_cast %scan3A_48 : i32 to index
      %swap3A_67 = arith.constant 96 : index
      %swap3A_68 = tpu.vector_load %arg8[%swap3A_66, %swap3A_67] {strides = array<i32>} : memref<128x128xf32, #tpu.memory_space<vmem>>, vector<16xf32>,
      tpu.vector_store %arg8[%swap3A_66, %swap3A_67], %broadcast_in_dim3A_1 {strides = array<i32>} : memref<128x128xf32, #tpu.memory_space<vmem>>, vector<16xf32>,
      %swap3A_69 = arith.index_cast %scan3A_48 : i32 to index
      %swap3A_70 = arith.constant 112 : index
      %swap3A_71 = tpu.vector_load %arg8[%swap3A_69, %swap3A_70] {strides = array<i32>} : memref<128x128xf32, #tpu.memory_space<vmem>>, vector<16xf32>,
      tpu.vector_store %arg8[%swap3A_69, %swap3A_70], %broadcast_in_dim3A_1 {strides = array<i32>} : memref<128x128xf32, #tpu.memory_space<vmem>>, vector<16xf32>,
    }
    %scan3A_6 = arith.constant 128 : i32
    %mul3A_7 = arith.constant 5 : i32
    %mul3A_8 = arith.muli %arg1, %mul3A_7 : i32
    %add3A_9 = arith.constant 0 : i32
    %add3A_10 = arith.addi %mul3A_8, %add3A_9 : i32
    %mul3A_11 = arith.constant 128 : i32
    %mul3A_12 = arith.muli %add3A_10, %mul3A_11 : i32
    "tpu.region"() ({
      %run_scoped3A = tpu.sem_alloc : memref<!tpu.dma_semaphore, #tpu.memory_space<semaphore_mem>>
      %dma_start3A = arith.constant 0 : i32
      %dma_start3A_48 = tpu.memref_slice %arg9[%mul3A_12, %dma_start3A] : memref<10240x128xf32, #tpu.memory_space<vmem_shared>> -> memref<128x128xf32, #tpu.memory_space<vmem_shared>>
      %dma_start3A_49 = arith.constant 0 : i32
      %dma_start3A_50 = tpu.memref_slice %arg9[%mul3A_12, %dma_start3A_49] : memref<10240x128xf32, #tpu.memory_space<vmem_shared>> -> memref<128x128xf32, #tpu.memory_space<vmem_shared>>
      tpu.enqueue_dma source(%arg8 : memref<128x128xf32, #tpu.memory_space<vmem>>) target(%dma_start3A_50 : memref<128x128xf32, #tpu.memory_space<vmem_shared>>) target_semaphore(%run_scoped3A : memref<!tpu.dma_semaphore, #tpu.memory_space<semaphore_mem>>)
      %dma_wait3A = arith.constant 0 : i32
      %dma_wait3A_51 = tpu.memref_slice %arg9[%mul3A_12, %dma_wait3A] : memref<10240x128xf32, #tpu.memory_space<vmem_shared>> -> memref<128x128xf32, #tpu.memory_space<vmem_shared>>
      %dma_wait3A_52 = arith.constant 0 : i32
      %dma_wait3A_53 = tpu.memref_slice %arg9[%mul3A_12, %dma_wait3A_52] : memref<10240x128xf32, #tpu.memory_space<vmem_shared>> -> memref<128x128xf32, #tpu.memory_space<vmem_shared>>
      tpu.wait_dma2 semaphore(%run_scoped3A : memref<!tpu.dma_semaphore, #tpu.memory_space<semaphore_mem>>) src(%arg8 : memref<128x128xf32, #tpu.memory_space<vmem>>) dst(%dma_wait3A_53 : memref<128x128xf32, #tpu.memory_space<vmem_shared>>)
      tpu.yield
    }) : () -> ()
    %mul3A_13 = arith.constant 5 : i32
    %mul3A_14 = arith.muli %arg1, %mul3A_13 : i32
    %add3A_15 = arith.constant 1 : i32
    %add3A_16 = arith.addi %mul3A_14, %add3A_15 : i32
    %mul3A_17 = arith.constant 128 : i32
    %mul3A_18 = arith.muli %add3A_16, %mul3A_17 : i32
    "tpu.region"() ({
      %run_scoped3A = tpu.sem_alloc : memref<!tpu.dma_semaphore, #tpu.memory_space<semaphore_mem>>
      %dma_start3A = arith.constant 0 : i32
      %dma_start3A_48 = tpu.memref_slice %arg9[%mul3A_18, %dma_start3A] : memref<10240x128xf32, #tpu.memory_space<vmem_shared>> -> memref<128x128xf32, #tpu.memory_space<vmem_shared>>
      %dma_start3A_49 = arith.constant 0 : i32
      %dma_start3A_50 = tpu.memref_slice %arg9[%mul3A_18, %dma_start3A_49] : memref<10240x128xf32, #tpu.memory_space<vmem_shared>> -> memref<128x128xf32, #tpu.memory_space<vmem_shared>>
      tpu.enqueue_dma source(%arg8 : memref<128x128xf32, #tpu.memory_space<vmem>>) target(%dma_start3A_50 : memref<128x128xf32, #tpu.memory_space<vmem_shared>>) target_semaphore(%run_scoped3A : memref<!tpu.dma_semaphore, #tpu.memory_space<semaphore_mem>>)
      %dma_wait3A = arith.constant 0 : i32
      %dma_wait3A_51 = tpu.memref_slice %arg9[%mul3A_18, %dma_wait3A] : memref<10240x128xf32, #tpu.memory_space<vmem_shared>> -> memref<128x128xf32, #tpu.memory_space<vmem_shared>>
      %dma_wait3A_52 = arith.constant 0 : i32
      %dma_wait3A_53 = tpu.memref_slice %arg9[%mul3A_18, %dma_wait3A_52] : memref<10240x128xf32, #tpu.memory_space<vmem_shared>> -> memref<128x128xf32, #tpu.memory_space<vmem_shared>>
      tpu.wait_dma2 semaphore(%run_scoped3A : memref<!tpu.dma_semaphore, #tpu.memory_space<semaphore_mem>>) src(%arg8 : memref<128x128xf32, #tpu.memory_space<vmem>>) dst(%dma_wait3A_53 : memref<128x128xf32, #tpu.memory_space<vmem_shared>>)
      tpu.yield
    }) : () -> ()
    %mul3A_19 = arith.constant 5 : i32
    %mul3A_20 = arith.muli %arg1, %mul3A_19 : i32
    %add3A_21 = arith.constant 2 : i32
    %add3A_22 = arith.addi %mul3A_20, %add3A_21 : i32
    %mul3A_23 = arith.constant 128 : i32
    %mul3A_24 = arith.muli %add3A_22, %mul3A_23 : i32
    "tpu.region"() ({
      %run_scoped3A = tpu.sem_alloc : memref<!tpu.dma_semaphore, #tpu.memory_space<semaphore_mem>>
      %dma_start3A = arith.constant 0 : i32
      %dma_start3A_48 = tpu.memref_slice %arg9[%mul3A_24, %dma_start3A] : memref<10240x128xf32, #tpu.memory_space<vmem_shared>> -> memref<128x128xf32, #tpu.memory_space<vmem_shared>>
      %dma_start3A_49 = arith.constant 0 : i32
      %dma_start3A_50 = tpu.memref_slice %arg9[%mul3A_24, %dma_start3A_49] : memref<10240x128xf32, #tpu.memory_space<vmem_shared>> -> memref<128x128xf32, #tpu.memory_space<vmem_shared>>
      tpu.enqueue_dma source(%arg8 : memref<128x128xf32, #tpu.memory_space<vmem>>) target(%dma_start3A_50 : memref<128x128xf32, #tpu.memory_space<vmem_shared>>) target_semaphore(%run_scoped3A : memref<!tpu.dma_semaphore, #tpu.memory_space<semaphore_mem>>)
      %dma_wait3A = arith.constant 0 : i32
      %dma_wait3A_51 = tpu.memref_slice %arg9[%mul3A_24, %dma_wait3A] : memref<10240x128xf32, #tpu.memory_space<vmem_shared>> -> memref<128x128xf32, #tpu.memory_space<vmem_shared>>
      %dma_wait3A_52 = arith.constant 0 : i32
      %dma_wait3A_53 = tpu.memref_slice %arg9[%mul3A_24, %dma_wait3A_52] : memref<10240x128xf32, #tpu.memory_space<vmem_shared>> -> memref<128x128xf32, #tpu.memory_space<vmem_shared>>
      tpu.wait_dma2 semaphore(%run_scoped3A : memref<!tpu.dma_semaphore, #tpu.memory_space<semaphore_mem>>) src(%arg8 : memref<128x128xf32, #tpu.memory_space<vmem>>) dst(%dma_wait3A_53 : memref<128x128xf32, #tpu.memory_space<vmem_shared>>)
      tpu.yield
    }) : () -> ()
    %mul3A_25 = arith.constant 5 : i32
    %mul3A_26 = arith.muli %arg1, %mul3A_25 : i32
    %add3A_27 = arith.constant 3 : i32
    %add3A_28 = arith.addi %mul3A_26, %add3A_27 : i32
    %mul3A_29 = arith.constant 128 : i32
    %mul3A_30 = arith.muli %add3A_28, %mul3A_29 : i32
    "tpu.region"() ({
      %run_scoped3A = tpu.sem_alloc : memref<!tpu.dma_semaphore, #tpu.memory_space<semaphore_mem>>
      %dma_start3A = arith.constant 0 : i32
      %dma_start3A_48 = tpu.memref_slice %arg9[%mul3A_30, %dma_start3A] : memref<10240x128xf32, #tpu.memory_space<vmem_shared>> -> memref<128x128xf32, #tpu.memory_space<vmem_shared>>
      %dma_start3A_49 = arith.constant 0 : i32
      %dma_start3A_50 = tpu.memref_slice %arg9[%mul3A_30, %dma_start3A_49] : memref<10240x128xf32, #tpu.memory_space<vmem_shared>> -> memref<128x128xf32, #tpu.memory_space<vmem_shared>>
      tpu.enqueue_dma source(%arg8 : memref<128x128xf32, #tpu.memory_space<vmem>>) target(%dma_start3A_50 : memref<128x128xf32, #tpu.memory_space<vmem_shared>>) target_semaphore(%run_scoped3A : memref<!tpu.dma_semaphore, #tpu.memory_space<semaphore_mem>>)
      %dma_wait3A = arith.constant 0 : i32
      %dma_wait3A_51 = tpu.memref_slice %arg9[%mul3A_30, %dma_wait3A] : memref<10240x128xf32, #tpu.memory_space<vmem_shared>> -> memref<128x128xf32, #tpu.memory_space<vmem_shared>>
      %dma_wait3A_52 = arith.constant 0 : i32
      %dma_wait3A_53 = tpu.memref_slice %arg9[%mul3A_30, %dma_wait3A_52] : memref<10240x128xf32, #tpu.memory_space<vmem_shared>> -> memref<128x128xf32, #tpu.memory_space<vmem_shared>>
      tpu.wait_dma2 semaphore(%run_scoped3A : memref<!tpu.dma_semaphore, #tpu.memory_space<semaphore_mem>>) src(%arg8 : memref<128x128xf32, #tpu.memory_space<vmem>>) dst(%dma_wait3A_53 : memref<128x128xf32, #tpu.memory_space<vmem_shared>>)
      tpu.yield
    }) : () -> ()
    %mul3A_31 = arith.constant 5 : i32
    %mul3A_32 = arith.muli %arg1, %mul3A_31 : i32
    %add3A_33 = arith.constant 4 : i32
    %add3A_34 = arith.addi %mul3A_32, %add3A_33 : i32
    %mul3A_35 = arith.constant 128 : i32
    %mul3A_36 = arith.muli %add3A_34, %mul3A_35 : i32
    "tpu.region"() ({
      %run_scoped3A = tpu.sem_alloc : memref<!tpu.dma_semaphore, #tpu.memory_space<semaphore_mem>>
      %dma_start3A = arith.constant 0 : i32
      %dma_start3A_48 = tpu.memref_slice %arg9[%mul3A_36, %dma_start3A] : memref<10240x128xf32, #tpu.memory_space<vmem_shared>> -> memref<128x128xf32, #tpu.memory_space<vmem_shared>>
      %dma_start3A_49 = arith.constant 0 : i32
      %dma_start3A_50 = tpu.memref_slice %arg9[%mul3A_36, %dma_start3A_49] : memref<10240x128xf32, #tpu.memory_space<vmem_shared>> -> memref<128x128xf32, #tpu.memory_space<vmem_shared>>
      tpu.enqueue_dma source(%arg8 : memref<128x128xf32, #tpu.memory_space<vmem>>) target(%dma_start3A_50 : memref<128x128xf32, #tpu.memory_space<vmem_shared>>) target_semaphore(%run_scoped3A : memref<!tpu.dma_semaphore, #tpu.memory_space<semaphore_mem>>)
      %dma_wait3A = arith.constant 0 : i32
      %dma_wait3A_51 = tpu.memref_slice %arg9[%mul3A_36, %dma_wait3A] : memref<10240x128xf32, #tpu.memory_space<vmem_shared>> -> memref<128x128xf32, #tpu.memory_space<vmem_shared>>
      %dma_wait3A_52 = arith.constant 0 : i32
      %dma_wait3A_53 = tpu.memref_slice %arg9[%mul3A_36, %dma_wait3A_52] : memref<10240x128xf32, #tpu.memory_space<vmem_shared>> -> memref<128x128xf32, #tpu.memory_space<vmem_shared>>
      tpu.wait_dma2 semaphore(%run_scoped3A : memref<!tpu.dma_semaphore, #tpu.memory_space<semaphore_mem>>) src(%arg8 : memref<128x128xf32, #tpu.memory_space<vmem>>) dst(%dma_wait3A_53 : memref<128x128xf32, #tpu.memory_space<vmem_shared>>)
      tpu.yield
    }) : () -> ()
    %barrier3A = arith.constant 0 : index
    tpu.barrier barrier_id(%barrier3A)
    "tpu.region"() ({
      %run_scoped3A = tpu.sem_alloc : memref<!tpu.dma_semaphore, #tpu.memory_space<semaphore_mem>>
      %dma_start3A = arith.constant 0 : i32
      %dma_start3A_48 = arith.constant 0 : i32
      %dma_start3A_49 = tpu.memref_slice %arg3[%add3A, %dma_start3A, %dma_start3A_48] : memref<32x79x128xi32, #tpu.memory_space<hbm>> -> memref<1x79x128xi32, #tpu.memory_space<hbm>>
      %dma_start3A_50 = tpu.memref_squeeze %dma_start3A_49 : memref<1x79x128xi32, #tpu.memory_space<hbm>> -> memref<79x128xi32, #tpu.memory_space<hbm>>
      %dma_start3A_51 = arith.constant 0 : i32
      %dma_start3A_52 = arith.constant 0 : i32
      %dma_start3A_53 = tpu.memref_slice %arg3[%add3A, %dma_start3A_51, %dma_start3A_52] : memref<32x79x128xi32, #tpu.memory_space<hbm>> -> memref<1x79x128xi32, #tpu.memory_space<hbm>>
      %dma_start3A_54 = tpu.memref_squeeze %dma_start3A_53 : memref<1x79x128xi32, #tpu.memory_space<hbm>> -> memref<79x128xi32, #tpu.memory_space<hbm>>
      tpu.enqueue_dma source(%dma_start3A_54 : memref<79x128xi32, #tpu.memory_space<hbm>>) target(%arg6 : memref<79x128xi32, #tpu.memory_space<vmem>>) target_semaphore(%run_scoped3A : memref<!tpu.dma_semaphore, #tpu.memory_space<semaphore_mem>>)
      %dma_wait3A = arith.constant 0 : i32
      %dma_wait3A_55 = arith.constant 0 : i32
      %dma_wait3A_56 = tpu.memref_slice %arg3[%add3A, %dma_wait3A, %dma_wait3A_55] : memref<32x79x128xi32, #tpu.memory_space<hbm>> -> memref<1x79x128xi32, #tpu.memory_space<hbm>>
      %dma_wait3A_57 = tpu.memref_squeeze %dma_wait3A_56 : memref<1x79x128xi32, #tpu.memory_space<hbm>> -> memref<79x128xi32, #tpu.memory_space<hbm>>
      %dma_wait3A_58 = arith.constant 0 : i32
      %dma_wait3A_59 = arith.constant 0 : i32
      %dma_wait3A_60 = tpu.memref_slice %arg3[%add3A, %dma_wait3A_58, %dma_wait3A_59] : memref<32x79x128xi32, #tpu.memory_space<hbm>> -> memref<1x79x128xi32, #tpu.memory_space<hbm>>
      %dma_wait3A_61 = tpu.memref_squeeze %dma_wait3A_60 : memref<1x79x128xi32, #tpu.memory_space<hbm>> -> memref<79x128xi32, #tpu.memory_space<hbm>>
      tpu.wait_dma2 semaphore(%run_scoped3A : memref<!tpu.dma_semaphore, #tpu.memory_space<semaphore_mem>>) src(%dma_wait3A_61 : memref<79x128xi32, #tpu.memory_space<hbm>>) dst(%arg6 : memref<79x128xi32, #tpu.memory_space<vmem>>)
      tpu.yield
    }) : () -> ()
    "tpu.region"() ({
      %run_scoped3A = tpu.sem_alloc : memref<!tpu.dma_semaphore, #tpu.memory_space<semaphore_mem>>
      %dma_start3A = arith.constant 0 : i32
      %dma_start3A_48 = arith.constant 0 : i32
      %dma_start3A_49 = tpu.memref_slice %arg4[%add3A, %dma_start3A, %dma_start3A_48] : memref<32x79x128xi32, #tpu.memory_space<hbm>> -> memref<1x79x128xi32, #tpu.memory_space<hbm>>
      %dma_start3A_50 = tpu.memref_squeeze %dma_start3A_49 : memref<1x79x128xi32, #tpu.memory_space<hbm>> -> memref<79x128xi32, #tpu.memory_space<hbm>>
      %dma_start3A_51 = arith.constant 0 : i32
      %dma_start3A_52 = arith.constant 0 : i32
      %dma_start3A_53 = tpu.memref_slice %arg4[%add3A, %dma_start3A_51, %dma_start3A_52] : memref<32x79x128xi32, #tpu.memory_space<hbm>> -> memref<1x79x128xi32, #tpu.memory_space<hbm>>
      %dma_start3A_54 = tpu.memref_squeeze %dma_start3A_53 : memref<1x79x128xi32, #tpu.memory_space<hbm>> -> memref<79x128xi32, #tpu.memory_space<hbm>>
      tpu.enqueue_dma source(%dma_start3A_54 : memref<79x128xi32, #tpu.memory_space<hbm>>) target(%arg7 : memref<79x128xi32, #tpu.memory_space<vmem>>) target_semaphore(%run_scoped3A : memref<!tpu.dma_semaphore, #tpu.memory_space<semaphore_mem>>)
      %dma_wait3A = arith.constant 0 : i32
      %dma_wait3A_55 = arith.constant 0 : i32
      %dma_wait3A_56 = tpu.memref_slice %arg4[%add3A, %dma_wait3A, %dma_wait3A_55] : memref<32x79x128xi32, #tpu.memory_space<hbm>> -> memref<1x79x128xi32, #tpu.memory_space<hbm>>
      %dma_wait3A_57 = tpu.memref_squeeze %dma_wait3A_56 : memref<1x79x128xi32, #tpu.memory_space<hbm>> -> memref<79x128xi32, #tpu.memory_space<hbm>>
      %dma_wait3A_58 = arith.constant 0 : i32
      %dma_wait3A_59 = arith.constant 0 : i32
      %dma_wait3A_60 = tpu.memref_slice %arg4[%add3A, %dma_wait3A_58, %dma_wait3A_59] : memref<32x79x128xi32, #tpu.memory_space<hbm>> -> memref<1x79x128xi32, #tpu.memory_space<hbm>>
      %dma_wait3A_61 = tpu.memref_squeeze %dma_wait3A_60 : memref<1x79x128xi32, #tpu.memory_space<hbm>> -> memref<79x128xi32, #tpu.memory_space<hbm>>
      tpu.wait_dma2 semaphore(%run_scoped3A : memref<!tpu.dma_semaphore, #tpu.memory_space<semaphore_mem>>) src(%dma_wait3A_61 : memref<79x128xi32, #tpu.memory_space<hbm>>) dst(%arg7 : memref<79x128xi32, #tpu.memory_space<vmem>>)
      tpu.yield
    }) : () -> ()
    %scan3A_37 = arith.constant 0 : i32
    %scan3A_38 = arith.constant 0 : i32
    %scan3A_39 = arith.constant 79 : i32
    %scan3A_40 = arith.addi %scan3A_38, %scan3A_39 : i32
    %scan3A_41 = arith.constant 1 : i32
    scf.for %scan3A_48 = %scan3A_38 to %scan3A_40 step %scan3A_41  : i32 {
      %dma_start3A = arith.constant 0 : i32
      %dma_start3A_49 = tpu.memref_slice %arg6[%scan3A_48, %dma_start3A] : memref<79x128xi32, #tpu.memory_space<vmem>> -> memref<1x128xi32, #tpu.memory_space<vmem>>
      %dma_start3A_50 = tpu.memref_squeeze %dma_start3A_49 : memref<1x128xi32, #tpu.memory_space<vmem>> -> memref<128xi32, #tpu.memory_space<vmem>>
      %dma_start3A_51 = arith.constant 0 : i32
      %dma_start3A_52 = arith.constant 0 : i32
      %dma_start3A_53 = tpu.memref_slice %arg2[%dma_start3A_51, %dma_start3A_52] : memref<10000x128xf32, #tpu.memory_space<hbm>> -> memref<10000x128xf32, #tpu.memory_space<hbm>>
      tpu.enqueue_indirect_dma source(%dma_start3A_53 : memref<10000x128xf32, #tpu.memory_space<hbm>>) target(%arg8 : memref<128x128xf32, #tpu.memory_space<vmem>>) offsets(%dma_start3A_50 : memref<128xi32, #tpu.memory_space<vmem>>) semaphore(%arg10 : memref<!tpu.dma_semaphore, #tpu.memory_space<semaphore_mem>>)
      %dma_wait3A = arith.constant 0 : i32
      %dma_wait3A_54 = tpu.memref_slice %arg6[%scan3A_48, %dma_wait3A] : memref<79x128xi32, #tpu.memory_space<vmem>> -> memref<1x128xi32, #tpu.memory_space<vmem>>
      %dma_wait3A_55 = tpu.memref_squeeze %dma_wait3A_54 : memref<1x128xi32, #tpu.memory_space<vmem>> -> memref<128xi32, #tpu.memory_space<vmem>>
      %dma_wait3A_56 = arith.constant 0 : i32
      %dma_wait3A_57 = arith.constant 0 : i32
      %dma_wait3A_58 = tpu.memref_slice %arg2[%dma_wait3A_56, %dma_wait3A_57] : memref<10000x128xf32, #tpu.memory_space<hbm>> -> memref<10000x128xf32, #tpu.memory_space<hbm>>
      tpu.wait_indirect_dma semaphore(%arg10 : memref<!tpu.dma_semaphore, #tpu.memory_space<semaphore_mem>>) src(%dma_wait3A_58 : memref<10000x128xf32, #tpu.memory_space<hbm>>) dst(%arg8 : memref<128x128xf32, #tpu.memory_space<vmem>>)
      "tpu.region"() ({
        %run_scoped3A = tpu.sem_alloc : memref<!tpu.dma_semaphore, #tpu.memory_space<semaphore_mem>>
        %dma_start3A_59 = arith.constant 0 : i32
        %dma_start3A_60 = tpu.memref_slice %arg7[%scan3A_48, %dma_start3A_59] : memref<79x128xi32, #tpu.memory_space<vmem>> -> memref<1x128xi32, #tpu.memory_space<vmem>>
        %dma_start3A_61 = tpu.memref_squeeze %dma_start3A_60 : memref<1x128xi32, #tpu.memory_space<vmem>> -> memref<128xi32, #tpu.memory_space<vmem>>
        %dma_start3A_62 = arith.constant 0 : i32
        %dma_start3A_63 = arith.constant 0 : i32
        %dma_start3A_64 = tpu.memref_slice %arg9[%dma_start3A_62, %dma_start3A_63] : memref<10240x128xf32, #tpu.memory_space<vmem_shared>> -> memref<10240x128xf32, #tpu.memory_space<vmem_shared>>
        tpu.enqueue_indirect_dma source(%arg8 : memref<128x128xf32, #tpu.memory_space<vmem>>) target(%dma_start3A_64 : memref<10240x128xf32, #tpu.memory_space<vmem_shared>>) offsets(%dma_start3A_61 : memref<128xi32, #tpu.memory_space<vmem>>) semaphore(%run_scoped3A : memref<!tpu.dma_semaphore, #tpu.memory_space<semaphore_mem>>) {add = true}
        %dma_wait3A_65 = arith.constant 0 : i32
        %dma_wait3A_66 = tpu.memref_slice %arg7[%scan3A_48, %dma_wait3A_65] : memref<79x128xi32, #tpu.memory_space<vmem>> -> memref<1x128xi32, #tpu.memory_space<vmem>>
        %dma_wait3A_67 = tpu.memref_squeeze %dma_wait3A_66 : memref<1x128xi32, #tpu.memory_space<vmem>> -> memref<128xi32, #tpu.memory_space<vmem>>
        %dma_wait3A_68 = arith.constant 0 : i32
        %dma_wait3A_69 = arith.constant 0 : i32
        %dma_wait3A_70 = tpu.memref_slice %arg9[%dma_wait3A_68, %dma_wait3A_69] : memref<10240x128xf32, #tpu.memory_space<vmem_shared>> -> memref<10240x128xf32, #tpu.memory_space<vmem_shared>>
        tpu.wait_indirect_dma semaphore(%run_scoped3A : memref<!tpu.dma_semaphore, #tpu.memory_space<semaphore_mem>>) src(%arg8 : memref<128x128xf32, #tpu.memory_space<vmem>>) dst(%dma_wait3A_70 : memref<10240x128xf32, #tpu.memory_space<vmem_shared>>)
        tpu.yield
      }) : () -> ()
    }
    %scan3A_42 = arith.constant 79 : i32
    %barrier3A_43 = arith.constant 0 : index
    tpu.barrier barrier_id(%barrier3A_43)
    %mul3A_44 = arith.constant 640 : i32
    %mul3A_45 = arith.muli %arg1, %mul3A_44 : i32
    %mul3A_46 = arith.constant 640 : i32
    %mul3A_47 = arith.muli %arg1, %mul3A_46 : i32
    "tpu.region"() ({
      %run_scoped3A = tpu.sem_alloc : memref<!tpu.dma_semaphore, #tpu.memory_space<semaphore_mem>>
      %dma_start3A = arith.constant 0 : i32
      %dma_start3A_48 = tpu.memref_slice %arg5[%arg0, %mul3A_47, %dma_start3A] : memref<2x10240x128xf32, #tpu.memory_space<hbm>> -> memref<1x640x128xf32, #tpu.memory_space<hbm>>
      %dma_start3A_49 = tpu.memref_squeeze %dma_start3A_48 : memref<1x640x128xf32, #tpu.memory_space<hbm>> -> memref<640x128xf32, #tpu.memory_space<hbm>>
      %dma_start3A_50 = arith.constant 0 : i32
      %dma_start3A_51 = tpu.memref_slice %arg9[%mul3A_45, %dma_start3A_50] : memref<10240x128xf32, #tpu.memory_space<vmem_shared>> -> memref<640x128xf32, #tpu.memory_space<vmem_shared>>
      tpu.enqueue_dma source(%dma_start3A_51 : memref<640x128xf32, #tpu.memory_space<vmem_shared>>) target(%dma_start3A_49 : memref<640x128xf32, #tpu.memory_space<hbm>>) target_semaphore(%run_scoped3A : memref<!tpu.dma_semaphore, #tpu.memory_space<semaphore_mem>>)
      %dma_wait3A = arith.constant 0 : i32
      %dma_wait3A_52 = tpu.memref_slice %arg5[%arg0, %mul3A_47, %dma_wait3A] : memref<2x10240x128xf32, #tpu.memory_space<hbm>> -> memref<1x640x128xf32, #tpu.memory_space<hbm>>
      %dma_wait3A_53 = tpu.memref_squeeze %dma_wait3A_52 : memref<1x640x128xf32, #tpu.memory_space<hbm>> -> memref<640x128xf32, #tpu.memory_space<hbm>>
      %dma_wait3A_54 = arith.constant 0 : i32
      %dma_wait3A_55 = tpu.memref_slice %arg9[%mul3A_45, %dma_wait3A_54] : memref<10240x128xf32, #tpu.memory_space<vmem_shared>> -> memref<640x128xf32, #tpu.memory_space<vmem_shared>>
      tpu.wait_dma2 semaphore(%run_scoped3A : memref<!tpu.dma_semaphore, #tpu.memory_space<semaphore_mem>>) src(%dma_wait3A_55 : memref<640x128xf32, #tpu.memory_space<vmem_shared>>) dst(%dma_wait3A_53 : memref<640x128xf32, #tpu.memory_space<hbm>>)
      tpu.yield
    }) : () -> ()
    return
  }
}

#map = affine_map<(d0, d1) -> (0, 0)>
#map1 = affine_map<(d0, d1) -> (0, 0, 0)>
module attributes {stable_mosaic.version = 14 : i64} {
  func.func @_sc_agg_body(%arg0: i32, %arg1: i32, %arg2: memref<10000x128xf32, #tpu.memory_space<hbm>>, %arg3: memref<32x79x128xi32, #tpu.memory_space<hbm>>, %arg4: memref<32x79x128xi32, #tpu.memory_space<hbm>>, %arg5: memref<2x10240x128xf32, #tpu.memory_space<hbm>>, %arg6: memref<79x128xi32, #tpu.memory_space<vmem>>, %arg7: memref<79x128xi32, #tpu.memory_space<vmem>>, %arg8: memref<128x128xf32, #tpu.memory_space<vmem>>, %arg9: memref<10240x128xf32, #tpu.memory_space<vmem_shared>>, %arg10: memref<!tpu.dma_semaphore, #tpu.memory_space<semaphore_mem>>) attributes {dimension_semantics = [#tpu.dimension_semantics<core_parallel>, #tpu.dimension_semantics<subcore_parallel>], iteration_bounds = array<i64: 2, 16>, scalar_prefetch = 0 : i64, scratch_operands = 5 : i64, tpu.core_type = #tpu.core_type<sc_vector_subcore>, window_params = [{transform_indices = #map}, {transform_indices = #map1}, {transform_indices = #map1}, {transform_indices = #map1}]} {
    %mul3A = arith.constant 2 : i32
    %mul3A_0 = arith.muli %arg1, %mul3A : i32
    %add3A = arith.addi %mul3A_0, %arg0 : i32
    %broadcast_in_dim3A = arith.constant 0.000000e+00 : f32
    %broadcast_in_dim3A_1 = vector.broadcast %broadcast_in_dim3A : f32 to vector<16xf32>
    %scan3A = arith.constant 0 : i32
    %scan3A_2 = arith.constant 0 : i32
    %scan3A_3 = arith.constant 128 : i32
    %scan3A_4 = arith.addi %scan3A_2, %scan3A_3 : i32
    %scan3A_5 = arith.constant 1 : i32
    scf.for %scan3A_48 = %scan3A_2 to %scan3A_4 step %scan3A_5  : i32 {
      %swap3A = arith.index_cast %scan3A_48 : i32 to index
      %swap3A_49 = arith.constant 0 : index
      %swap3A_50 = tpu.vector_load %arg8[%swap3A, %swap3A_49] {strides = array<i32>} : memref<128x128xf32, #tpu.memory_space<vmem>>, vector<16xf32>,
      tpu.vector_store %arg8[%swap3A, %swap3A_49], %broadcast_in_dim3A_1 {strides = array<i32>} : memref<128x128xf32, #tpu.memory_space<vmem>>, vector<16xf32>,
      %swap3A_51 = arith.index_cast %scan3A_48 : i32 to index
      %swap3A_52 = arith.constant 16 : index
      %swap3A_53 = tpu.vector_load %arg8[%swap3A_51, %swap3A_52] {strides = array<i32>} : memref<128x128xf32, #tpu.memory_space<vmem>>, vector<16xf32>,
      tpu.vector_store %arg8[%swap3A_51, %swap3A_52], %broadcast_in_dim3A_1 {strides = array<i32>} : memref<128x128xf32, #tpu.memory_space<vmem>>, vector<16xf32>,
      %swap3A_54 = arith.index_cast %scan3A_48 : i32 to index
      %swap3A_55 = arith.constant 32 : index
      %swap3A_56 = tpu.vector_load %arg8[%swap3A_54, %swap3A_55] {strides = array<i32>} : memref<128x128xf32, #tpu.memory_space<vmem>>, vector<16xf32>,
      tpu.vector_store %arg8[%swap3A_54, %swap3A_55], %broadcast_in_dim3A_1 {strides = array<i32>} : memref<128x128xf32, #tpu.memory_space<vmem>>, vector<16xf32>,
      %swap3A_57 = arith.index_cast %scan3A_48 : i32 to index
      %swap3A_58 = arith.constant 48 : index
      %swap3A_59 = tpu.vector_load %arg8[%swap3A_57, %swap3A_58] {strides = array<i32>} : memref<128x128xf32, #tpu.memory_space<vmem>>, vector<16xf32>,
      tpu.vector_store %arg8[%swap3A_57, %swap3A_58], %broadcast_in_dim3A_1 {strides = array<i32>} : memref<128x128xf32, #tpu.memory_space<vmem>>, vector<16xf32>,
      %swap3A_60 = arith.index_cast %scan3A_48 : i32 to index
      %swap3A_61 = arith.constant 64 : index
      %swap3A_62 = tpu.vector_load %arg8[%swap3A_60, %swap3A_61] {strides = array<i32>} : memref<128x128xf32, #tpu.memory_space<vmem>>, vector<16xf32>,
      tpu.vector_store %arg8[%swap3A_60, %swap3A_61], %broadcast_in_dim3A_1 {strides = array<i32>} : memref<128x128xf32, #tpu.memory_space<vmem>>, vector<16xf32>,
      %swap3A_63 = arith.index_cast %scan3A_48 : i32 to index
      %swap3A_64 = arith.constant 80 : index
      %swap3A_65 = tpu.vector_load %arg8[%swap3A_63, %swap3A_64] {strides = array<i32>} : memref<128x128xf32, #tpu.memory_space<vmem>>, vector<16xf32>,
      tpu.vector_store %arg8[%swap3A_63, %swap3A_64], %broadcast_in_dim3A_1 {strides = array<i32>} : memref<128x128xf32, #tpu.memory_space<vmem>>, vector<16xf32>,
      %swap3A_66 = arith.index_cast %scan3A_48 : i32 to index
      %swap3A_67 = arith.constant 96 : index
      %swap3A_68 = tpu.vector_load %arg8[%swap3A_66, %swap3A_67] {strides = array<i32>} : memref<128x128xf32, #tpu.memory_space<vmem>>, vector<16xf32>,
      tpu.vector_store %arg8[%swap3A_66, %swap3A_67], %broadcast_in_dim3A_1 {strides = array<i32>} : memref<128x128xf32, #tpu.memory_space<vmem>>, vector<16xf32>,
      %swap3A_69 = arith.index_cast %scan3A_48 : i32 to index
      %swap3A_70 = arith.constant 112 : index
      %swap3A_71 = tpu.vector_load %arg8[%swap3A_69, %swap3A_70] {strides = array<i32>} : memref<128x128xf32, #tpu.memory_space<vmem>>, vector<16xf32>,
      tpu.vector_store %arg8[%swap3A_69, %swap3A_70], %broadcast_in_dim3A_1 {strides = array<i32>} : memref<128x128xf32, #tpu.memory_space<vmem>>, vector<16xf32>,
    }
    %scan3A_6 = arith.constant 128 : i32
    %mul3A_7 = arith.constant 5 : i32
    %mul3A_8 = arith.muli %arg1, %mul3A_7 : i32
    %add3A_9 = arith.constant 0 : i32
    %add3A_10 = arith.addi %mul3A_8, %add3A_9 : i32
    %mul3A_11 = arith.constant 128 : i32
    %mul3A_12 = arith.muli %add3A_10, %mul3A_11 : i32
    "tpu.region"() ({
      %run_scoped3A = tpu.sem_alloc : memref<!tpu.dma_semaphore, #tpu.memory_space<semaphore_mem>>
      %dma_start3A = arith.constant 0 : i32
      %dma_start3A_48 = tpu.memref_slice %arg9[%mul3A_12, %dma_start3A] : memref<10240x128xf32, #tpu.memory_space<vmem_shared>> -> memref<128x128xf32, #tpu.memory_space<vmem_shared>>
      %dma_start3A_49 = arith.constant 0 : i32
      %dma_start3A_50 = tpu.memref_slice %arg9[%mul3A_12, %dma_start3A_49] : memref<10240x128xf32, #tpu.memory_space<vmem_shared>> -> memref<128x128xf32, #tpu.memory_space<vmem_shared>>
      tpu.enqueue_dma source(%arg8 : memref<128x128xf32, #tpu.memory_space<vmem>>) target(%dma_start3A_50 : memref<128x128xf32, #tpu.memory_space<vmem_shared>>) target_semaphore(%run_scoped3A : memref<!tpu.dma_semaphore, #tpu.memory_space<semaphore_mem>>)
      %dma_wait3A = arith.constant 0 : i32
      %dma_wait3A_51 = tpu.memref_slice %arg9[%mul3A_12, %dma_wait3A] : memref<10240x128xf32, #tpu.memory_space<vmem_shared>> -> memref<128x128xf32, #tpu.memory_space<vmem_shared>>
      %dma_wait3A_52 = arith.constant 0 : i32
      %dma_wait3A_53 = tpu.memref_slice %arg9[%mul3A_12, %dma_wait3A_52] : memref<10240x128xf32, #tpu.memory_space<vmem_shared>> -> memref<128x128xf32, #tpu.memory_space<vmem_shared>>
      tpu.wait_dma2 semaphore(%run_scoped3A : memref<!tpu.dma_semaphore, #tpu.memory_space<semaphore_mem>>) src(%arg8 : memref<128x128xf32, #tpu.memory_space<vmem>>) dst(%dma_wait3A_53 : memref<128x128xf32, #tpu.memory_space<vmem_shared>>)
      tpu.yield
    }) : () -> ()
    %mul3A_13 = arith.constant 5 : i32
    %mul3A_14 = arith.muli %arg1, %mul3A_13 : i32
    %add3A_15 = arith.constant 1 : i32
    %add3A_16 = arith.addi %mul3A_14, %add3A_15 : i32
    %mul3A_17 = arith.constant 128 : i32
    %mul3A_18 = arith.muli %add3A_16, %mul3A_17 : i32
    "tpu.region"() ({
      %run_scoped3A = tpu.sem_alloc : memref<!tpu.dma_semaphore, #tpu.memory_space<semaphore_mem>>
      %dma_start3A = arith.constant 0 : i32
      %dma_start3A_48 = tpu.memref_slice %arg9[%mul3A_18, %dma_start3A] : memref<10240x128xf32, #tpu.memory_space<vmem_shared>> -> memref<128x128xf32, #tpu.memory_space<vmem_shared>>
      %dma_start3A_49 = arith.constant 0 : i32
      %dma_start3A_50 = tpu.memref_slice %arg9[%mul3A_18, %dma_start3A_49] : memref<10240x128xf32, #tpu.memory_space<vmem_shared>> -> memref<128x128xf32, #tpu.memory_space<vmem_shared>>
      tpu.enqueue_dma source(%arg8 : memref<128x128xf32, #tpu.memory_space<vmem>>) target(%dma_start3A_50 : memref<128x128xf32, #tpu.memory_space<vmem_shared>>) target_semaphore(%run_scoped3A : memref<!tpu.dma_semaphore, #tpu.memory_space<semaphore_mem>>)
      %dma_wait3A = arith.constant 0 : i32
      %dma_wait3A_51 = tpu.memref_slice %arg9[%mul3A_18, %dma_wait3A] : memref<10240x128xf32, #tpu.memory_space<vmem_shared>> -> memref<128x128xf32, #tpu.memory_space<vmem_shared>>
      %dma_wait3A_52 = arith.constant 0 : i32
      %dma_wait3A_53 = tpu.memref_slice %arg9[%mul3A_18, %dma_wait3A_52] : memref<10240x128xf32, #tpu.memory_space<vmem_shared>> -> memref<128x128xf32, #tpu.memory_space<vmem_shared>>
      tpu.wait_dma2 semaphore(%run_scoped3A : memref<!tpu.dma_semaphore, #tpu.memory_space<semaphore_mem>>) src(%arg8 : memref<128x128xf32, #tpu.memory_space<vmem>>) dst(%dma_wait3A_53 : memref<128x128xf32, #tpu.memory_space<vmem_shared>>)
      tpu.yield
    }) : () -> ()
    %mul3A_19 = arith.constant 5 : i32
    %mul3A_20 = arith.muli %arg1, %mul3A_19 : i32
    %add3A_21 = arith.constant 2 : i32
    %add3A_22 = arith.addi %mul3A_20, %add3A_21 : i32
    %mul3A_23 = arith.constant 128 : i32
    %mul3A_24 = arith.muli %add3A_22, %mul3A_23 : i32
    "tpu.region"() ({
      %run_scoped3A = tpu.sem_alloc : memref<!tpu.dma_semaphore, #tpu.memory_space<semaphore_mem>>
      %dma_start3A = arith.constant 0 : i32
      %dma_start3A_48 = tpu.memref_slice %arg9[%mul3A_24, %dma_start3A] : memref<10240x128xf32, #tpu.memory_space<vmem_shared>> -> memref<128x128xf32, #tpu.memory_space<vmem_shared>>
      %dma_start3A_49 = arith.constant 0 : i32
      %dma_start3A_50 = tpu.memref_slice %arg9[%mul3A_24, %dma_start3A_49] : memref<10240x128xf32, #tpu.memory_space<vmem_shared>> -> memref<128x128xf32, #tpu.memory_space<vmem_shared>>
      tpu.enqueue_dma source(%arg8 : memref<128x128xf32, #tpu.memory_space<vmem>>) target(%dma_start3A_50 : memref<128x128xf32, #tpu.memory_space<vmem_shared>>) target_semaphore(%run_scoped3A : memref<!tpu.dma_semaphore, #tpu.memory_space<semaphore_mem>>)
      %dma_wait3A = arith.constant 0 : i32
      %dma_wait3A_51 = tpu.memref_slice %arg9[%mul3A_24, %dma_wait3A] : memref<10240x128xf32, #tpu.memory_space<vmem_shared>> -> memref<128x128xf32, #tpu.memory_space<vmem_shared>>
      %dma_wait3A_52 = arith.constant 0 : i32
      %dma_wait3A_53 = tpu.memref_slice %arg9[%mul3A_24, %dma_wait3A_52] : memref<10240x128xf32, #tpu.memory_space<vmem_shared>> -> memref<128x128xf32, #tpu.memory_space<vmem_shared>>
      tpu.wait_dma2 semaphore(%run_scoped3A : memref<!tpu.dma_semaphore, #tpu.memory_space<semaphore_mem>>) src(%arg8 : memref<128x128xf32, #tpu.memory_space<vmem>>) dst(%dma_wait3A_53 : memref<128x128xf32, #tpu.memory_space<vmem_shared>>)
      tpu.yield
    }) : () -> ()
    %mul3A_25 = arith.constant 5 : i32
    %mul3A_26 = arith.muli %arg1, %mul3A_25 : i32
    %add3A_27 = arith.constant 3 : i32
    %add3A_28 = arith.addi %mul3A_26, %add3A_27 : i32
    %mul3A_29 = arith.constant 128 : i32
    %mul3A_30 = arith.muli %add3A_28, %mul3A_29 : i32
    "tpu.region"() ({
      %run_scoped3A = tpu.sem_alloc : memref<!tpu.dma_semaphore, #tpu.memory_space<semaphore_mem>>
      %dma_start3A = arith.constant 0 : i32
      %dma_start3A_48 = tpu.memref_slice %arg9[%mul3A_30, %dma_start3A] : memref<10240x128xf32, #tpu.memory_space<vmem_shared>> -> memref<128x128xf32, #tpu.memory_space<vmem_shared>>
      %dma_start3A_49 = arith.constant 0 : i32
      %dma_start3A_50 = tpu.memref_slice %arg9[%mul3A_30, %dma_start3A_49] : memref<10240x128xf32, #tpu.memory_space<vmem_shared>> -> memref<128x128xf32, #tpu.memory_space<vmem_shared>>
      tpu.enqueue_dma source(%arg8 : memref<128x128xf32, #tpu.memory_space<vmem>>) target(%dma_start3A_50 : memref<128x128xf32, #tpu.memory_space<vmem_shared>>) target_semaphore(%run_scoped3A : memref<!tpu.dma_semaphore, #tpu.memory_space<semaphore_mem>>)
      %dma_wait3A = arith.constant 0 : i32
      %dma_wait3A_51 = tpu.memref_slice %arg9[%mul3A_30, %dma_wait3A] : memref<10240x128xf32, #tpu.memory_space<vmem_shared>> -> memref<128x128xf32, #tpu.memory_space<vmem_shared>>
      %dma_wait3A_52 = arith.constant 0 : i32
      %dma_wait3A_53 = tpu.memref_slice %arg9[%mul3A_30, %dma_wait3A_52] : memref<10240x128xf32, #tpu.memory_space<vmem_shared>> -> memref<128x128xf32, #tpu.memory_space<vmem_shared>>
      tpu.wait_dma2 semaphore(%run_scoped3A : memref<!tpu.dma_semaphore, #tpu.memory_space<semaphore_mem>>) src(%arg8 : memref<128x128xf32, #tpu.memory_space<vmem>>) dst(%dma_wait3A_53 : memref<128x128xf32, #tpu.memory_space<vmem_shared>>)
      tpu.yield
    }) : () -> ()
    %mul3A_31 = arith.constant 5 : i32
    %mul3A_32 = arith.muli %arg1, %mul3A_31 : i32
    %add3A_33 = arith.constant 4 : i32
    %add3A_34 = arith.addi %mul3A_32, %add3A_33 : i32
    %mul3A_35 = arith.constant 128 : i32
    %mul3A_36 = arith.muli %add3A_34, %mul3A_35 : i32
    "tpu.region"() ({
      %run_scoped3A = tpu.sem_alloc : memref<!tpu.dma_semaphore, #tpu.memory_space<semaphore_mem>>
      %dma_start3A = arith.constant 0 : i32
      %dma_start3A_48 = tpu.memref_slice %arg9[%mul3A_36, %dma_start3A] : memref<10240x128xf32, #tpu.memory_space<vmem_shared>> -> memref<128x128xf32, #tpu.memory_space<vmem_shared>>
      %dma_start3A_49 = arith.constant 0 : i32
      %dma_start3A_50 = tpu.memref_slice %arg9[%mul3A_36, %dma_start3A_49] : memref<10240x128xf32, #tpu.memory_space<vmem_shared>> -> memref<128x128xf32, #tpu.memory_space<vmem_shared>>
      tpu.enqueue_dma source(%arg8 : memref<128x128xf32, #tpu.memory_space<vmem>>) target(%dma_start3A_50 : memref<128x128xf32, #tpu.memory_space<vmem_shared>>) target_semaphore(%run_scoped3A : memref<!tpu.dma_semaphore, #tpu.memory_space<semaphore_mem>>)
      %dma_wait3A = arith.constant 0 : i32
      %dma_wait3A_51 = tpu.memref_slice %arg9[%mul3A_36, %dma_wait3A] : memref<10240x128xf32, #tpu.memory_space<vmem_shared>> -> memref<128x128xf32, #tpu.memory_space<vmem_shared>>
      %dma_wait3A_52 = arith.constant 0 : i32
      %dma_wait3A_53 = tpu.memref_slice %arg9[%mul3A_36, %dma_wait3A_52] : memref<10240x128xf32, #tpu.memory_space<vmem_shared>> -> memref<128x128xf32, #tpu.memory_space<vmem_shared>>
      tpu.wait_dma2 semaphore(%run_scoped3A : memref<!tpu.dma_semaphore, #tpu.memory_space<semaphore_mem>>) src(%arg8 : memref<128x128xf32, #tpu.memory_space<vmem>>) dst(%dma_wait3A_53 : memref<128x128xf32, #tpu.memory_space<vmem_shared>>)
      tpu.yield
    }) : () -> ()
    %barrier3A = arith.constant 0 : index
    tpu.barrier barrier_id(%barrier3A)
    "tpu.region"() ({
      %run_scoped3A = tpu.sem_alloc : memref<!tpu.dma_semaphore, #tpu.memory_space<semaphore_mem>>
      %dma_start3A = arith.constant 0 : i32
      %dma_start3A_48 = arith.constant 0 : i32
      %dma_start3A_49 = tpu.memref_slice %arg3[%add3A, %dma_start3A, %dma_start3A_48] : memref<32x79x128xi32, #tpu.memory_space<hbm>> -> memref<1x79x128xi32, #tpu.memory_space<hbm>>
      %dma_start3A_50 = tpu.memref_squeeze %dma_start3A_49 : memref<1x79x128xi32, #tpu.memory_space<hbm>> -> memref<79x128xi32, #tpu.memory_space<hbm>>
      %dma_start3A_51 = arith.constant 0 : i32
      %dma_start3A_52 = arith.constant 0 : i32
      %dma_start3A_53 = tpu.memref_slice %arg3[%add3A, %dma_start3A_51, %dma_start3A_52] : memref<32x79x128xi32, #tpu.memory_space<hbm>> -> memref<1x79x128xi32, #tpu.memory_space<hbm>>
      %dma_start3A_54 = tpu.memref_squeeze %dma_start3A_53 : memref<1x79x128xi32, #tpu.memory_space<hbm>> -> memref<79x128xi32, #tpu.memory_space<hbm>>
      tpu.enqueue_dma source(%dma_start3A_54 : memref<79x128xi32, #tpu.memory_space<hbm>>) target(%arg6 : memref<79x128xi32, #tpu.memory_space<vmem>>) target_semaphore(%run_scoped3A : memref<!tpu.dma_semaphore, #tpu.memory_space<semaphore_mem>>)
      %dma_wait3A = arith.constant 0 : i32
      %dma_wait3A_55 = arith.constant 0 : i32
      %dma_wait3A_56 = tpu.memref_slice %arg3[%add3A, %dma_wait3A, %dma_wait3A_55] : memref<32x79x128xi32, #tpu.memory_space<hbm>> -> memref<1x79x128xi32, #tpu.memory_space<hbm>>
      %dma_wait3A_57 = tpu.memref_squeeze %dma_wait3A_56 : memref<1x79x128xi32, #tpu.memory_space<hbm>> -> memref<79x128xi32, #tpu.memory_space<hbm>>
      %dma_wait3A_58 = arith.constant 0 : i32
      %dma_wait3A_59 = arith.constant 0 : i32
      %dma_wait3A_60 = tpu.memref_slice %arg3[%add3A, %dma_wait3A_58, %dma_wait3A_59] : memref<32x79x128xi32, #tpu.memory_space<hbm>> -> memref<1x79x128xi32, #tpu.memory_space<hbm>>
      %dma_wait3A_61 = tpu.memref_squeeze %dma_wait3A_60 : memref<1x79x128xi32, #tpu.memory_space<hbm>> -> memref<79x128xi32, #tpu.memory_space<hbm>>
      tpu.wait_dma2 semaphore(%run_scoped3A : memref<!tpu.dma_semaphore, #tpu.memory_space<semaphore_mem>>) src(%dma_wait3A_61 : memref<79x128xi32, #tpu.memory_space<hbm>>) dst(%arg6 : memref<79x128xi32, #tpu.memory_space<vmem>>)
      tpu.yield
    }) : () -> ()
    "tpu.region"() ({
      %run_scoped3A = tpu.sem_alloc : memref<!tpu.dma_semaphore, #tpu.memory_space<semaphore_mem>>
      %dma_start3A = arith.constant 0 : i32
      %dma_start3A_48 = arith.constant 0 : i32
      %dma_start3A_49 = tpu.memref_slice %arg4[%add3A, %dma_start3A, %dma_start3A_48] : memref<32x79x128xi32, #tpu.memory_space<hbm>> -> memref<1x79x128xi32, #tpu.memory_space<hbm>>
      %dma_start3A_50 = tpu.memref_squeeze %dma_start3A_49 : memref<1x79x128xi32, #tpu.memory_space<hbm>> -> memref<79x128xi32, #tpu.memory_space<hbm>>
      %dma_start3A_51 = arith.constant 0 : i32
      %dma_start3A_52 = arith.constant 0 : i32
      %dma_start3A_53 = tpu.memref_slice %arg4[%add3A, %dma_start3A_51, %dma_start3A_52] : memref<32x79x128xi32, #tpu.memory_space<hbm>> -> memref<1x79x128xi32, #tpu.memory_space<hbm>>
      %dma_start3A_54 = tpu.memref_squeeze %dma_start3A_53 : memref<1x79x128xi32, #tpu.memory_space<hbm>> -> memref<79x128xi32, #tpu.memory_space<hbm>>
      tpu.enqueue_dma source(%dma_start3A_54 : memref<79x128xi32, #tpu.memory_space<hbm>>) target(%arg7 : memref<79x128xi32, #tpu.memory_space<vmem>>) target_semaphore(%run_scoped3A : memref<!tpu.dma_semaphore, #tpu.memory_space<semaphore_mem>>)
      %dma_wait3A = arith.constant 0 : i32
      %dma_wait3A_55 = arith.constant 0 : i32
      %dma_wait3A_56 = tpu.memref_slice %arg4[%add3A, %dma_wait3A, %dma_wait3A_55] : memref<32x79x128xi32, #tpu.memory_space<hbm>> -> memref<1x79x128xi32, #tpu.memory_space<hbm>>
      %dma_wait3A_57 = tpu.memref_squeeze %dma_wait3A_56 : memref<1x79x128xi32, #tpu.memory_space<hbm>> -> memref<79x128xi32, #tpu.memory_space<hbm>>
      %dma_wait3A_58 = arith.constant 0 : i32
      %dma_wait3A_59 = arith.constant 0 : i32
      %dma_wait3A_60 = tpu.memref_slice %arg4[%add3A, %dma_wait3A_58, %dma_wait3A_59] : memref<32x79x128xi32, #tpu.memory_space<hbm>> -> memref<1x79x128xi32, #tpu.memory_space<hbm>>
      %dma_wait3A_61 = tpu.memref_squeeze %dma_wait3A_60 : memref<1x79x128xi32, #tpu.memory_space<hbm>> -> memref<79x128xi32, #tpu.memory_space<hbm>>
      tpu.wait_dma2 semaphore(%run_scoped3A : memref<!tpu.dma_semaphore, #tpu.memory_space<semaphore_mem>>) src(%dma_wait3A_61 : memref<79x128xi32, #tpu.memory_space<hbm>>) dst(%arg7 : memref<79x128xi32, #tpu.memory_space<vmem>>)
      tpu.yield
    }) : () -> ()
    %scan3A_37 = arith.constant 0 : i32
    %scan3A_38 = arith.constant 0 : i32
    %scan3A_39 = arith.constant 79 : i32
    %scan3A_40 = arith.addi %scan3A_38, %scan3A_39 : i32
    %scan3A_41 = arith.constant 1 : i32
    scf.for %scan3A_48 = %scan3A_38 to %scan3A_40 step %scan3A_41  : i32 {
      %dma_start3A = arith.constant 0 : i32
      %dma_start3A_49 = tpu.memref_slice %arg6[%scan3A_48, %dma_start3A] : memref<79x128xi32, #tpu.memory_space<vmem>> -> memref<1x128xi32, #tpu.memory_space<vmem>>
      %dma_start3A_50 = tpu.memref_squeeze %dma_start3A_49 : memref<1x128xi32, #tpu.memory_space<vmem>> -> memref<128xi32, #tpu.memory_space<vmem>>
      %dma_start3A_51 = arith.constant 0 : i32
      %dma_start3A_52 = arith.constant 0 : i32
      %dma_start3A_53 = tpu.memref_slice %arg2[%dma_start3A_51, %dma_start3A_52] : memref<10000x128xf32, #tpu.memory_space<hbm>> -> memref<10000x128xf32, #tpu.memory_space<hbm>>
      tpu.enqueue_indirect_dma source(%dma_start3A_53 : memref<10000x128xf32, #tpu.memory_space<hbm>>) target(%arg8 : memref<128x128xf32, #tpu.memory_space<vmem>>) offsets(%dma_start3A_50 : memref<128xi32, #tpu.memory_space<vmem>>) semaphore(%arg10 : memref<!tpu.dma_semaphore, #tpu.memory_space<semaphore_mem>>)
      %dma_wait3A = arith.constant 0 : i32
      %dma_wait3A_54 = tpu.memref_slice %arg6[%scan3A_48, %dma_wait3A] : memref<79x128xi32, #tpu.memory_space<vmem>> -> memref<1x128xi32, #tpu.memory_space<vmem>>
      %dma_wait3A_55 = tpu.memref_squeeze %dma_wait3A_54 : memref<1x128xi32, #tpu.memory_space<vmem>> -> memref<128xi32, #tpu.memory_space<vmem>>
      %dma_wait3A_56 = arith.constant 0 : i32
      %dma_wait3A_57 = arith.constant 0 : i32
      %dma_wait3A_58 = tpu.memref_slice %arg2[%dma_wait3A_56, %dma_wait3A_57] : memref<10000x128xf32, #tpu.memory_space<hbm>> -> memref<10000x128xf32, #tpu.memory_space<hbm>>
      tpu.wait_indirect_dma semaphore(%arg10 : memref<!tpu.dma_semaphore, #tpu.memory_space<semaphore_mem>>) src(%dma_wait3A_58 : memref<10000x128xf32, #tpu.memory_space<hbm>>) dst(%arg8 : memref<128x128xf32, #tpu.memory_space<vmem>>)
      "tpu.region"() ({
        %run_scoped3A = tpu.sem_alloc : memref<!tpu.dma_semaphore, #tpu.memory_space<semaphore_mem>>
        %dma_start3A_59 = arith.constant 0 : i32
        %dma_start3A_60 = tpu.memref_slice %arg7[%scan3A_48, %dma_start3A_59] : memref<79x128xi32, #tpu.memory_space<vmem>> -> memref<1x128xi32, #tpu.memory_space<vmem>>
        %dma_start3A_61 = tpu.memref_squeeze %dma_start3A_60 : memref<1x128xi32, #tpu.memory_space<vmem>> -> memref<128xi32, #tpu.memory_space<vmem>>
        %dma_start3A_62 = arith.constant 0 : i32
        %dma_start3A_63 = arith.constant 0 : i32
        %dma_start3A_64 = tpu.memref_slice %arg9[%dma_start3A_62, %dma_start3A_63] : memref<10240x128xf32, #tpu.memory_space<vmem_shared>> -> memref<10240x128xf32, #tpu.memory_space<vmem_shared>>
        tpu.enqueue_indirect_dma source(%arg8 : memref<128x128xf32, #tpu.memory_space<vmem>>) target(%dma_start3A_64 : memref<10240x128xf32, #tpu.memory_space<vmem_shared>>) offsets(%dma_start3A_61 : memref<128xi32, #tpu.memory_space<vmem>>) semaphore(%run_scoped3A : memref<!tpu.dma_semaphore, #tpu.memory_space<semaphore_mem>>) {add = true}
        %dma_wait3A_65 = arith.constant 0 : i32
        %dma_wait3A_66 = tpu.memref_slice %arg7[%scan3A_48, %dma_wait3A_65] : memref<79x128xi32, #tpu.memory_space<vmem>> -> memref<1x128xi32, #tpu.memory_space<vmem>>
        %dma_wait3A_67 = tpu.memref_squeeze %dma_wait3A_66 : memref<1x128xi32, #tpu.memory_space<vmem>> -> memref<128xi32, #tpu.memory_space<vmem>>
        %dma_wait3A_68 = arith.constant 0 : i32
        %dma_wait3A_69 = arith.constant 0 : i32
        %dma_wait3A_70 = tpu.memref_slice %arg9[%dma_wait3A_68, %dma_wait3A_69] : memref<10240x128xf32, #tpu.memory_space<vmem_shared>> -> memref<10240x128xf32, #tpu.memory_space<vmem_shared>>
        tpu.wait_indirect_dma semaphore(%run_scoped3A : memref<!tpu.dma_semaphore, #tpu.memory_space<semaphore_mem>>) src(%arg8 : memref<128x128xf32, #tpu.memory_space<vmem>>) dst(%dma_wait3A_70 : memref<10240x128xf32, #tpu.memory_space<vmem_shared>>)
        tpu.yield
      }) : () -> ()
    }
    %scan3A_42 = arith.constant 79 : i32
    %barrier3A_43 = arith.constant 0 : index
    tpu.barrier barrier_id(%barrier3A_43)
    %mul3A_44 = arith.constant 640 : i32
    %mul3A_45 = arith.muli %arg1, %mul3A_44 : i32
    %mul3A_46 = arith.constant 640 : i32
    %mul3A_47 = arith.muli %arg1, %mul3A_46 : i32
    "tpu.region"() ({
      %run_scoped3A = tpu.sem_alloc : memref<!tpu.dma_semaphore, #tpu.memory_space<semaphore_mem>>
      %dma_start3A = arith.constant 0 : i32
      %dma_start3A_48 = tpu.memref_slice %arg5[%arg0, %mul3A_47, %dma_start3A] : memref<2x10240x128xf32, #tpu.memory_space<hbm>> -> memref<1x640x128xf32, #tpu.memory_space<hbm>>
      %dma_start3A_49 = tpu.memref_squeeze %dma_start3A_48 : memref<1x640x128xf32, #tpu.memory_space<hbm>> -> memref<640x128xf32, #tpu.memory_space<hbm>>
      %dma_start3A_50 = arith.constant 0 : i32
      %dma_start3A_51 = tpu.memref_slice %arg9[%mul3A_45, %dma_start3A_50] : memref<10240x128xf32, #tpu.memory_space<vmem_shared>> -> memref<640x128xf32, #tpu.memory_space<vmem_shared>>
      tpu.enqueue_dma source(%dma_start3A_51 : memref<640x128xf32, #tpu.memory_space<vmem_shared>>) target(%dma_start3A_49 : memref<640x128xf32, #tpu.memory_space<hbm>>) target_semaphore(%run_scoped3A : memref<!tpu.dma_semaphore, #tpu.memory_space<semaphore_mem>>)
      %dma_wait3A = arith.constant 0 : i32
      %dma_wait3A_52 = tpu.memref_slice %arg5[%arg0, %mul3A_47, %dma_wait3A] : memref<2x10240x128xf32, #tpu.memory_space<hbm>> -> memref<1x640x128xf32, #tpu.memory_space<hbm>>
      %dma_wait3A_53 = tpu.memref_squeeze %dma_wait3A_52 : memref<1x640x128xf32, #tpu.memory_space<hbm>> -> memref<640x128xf32, #tpu.memory_space<hbm>>
      %dma_wait3A_54 = arith.constant 0 : i32
      %dma_wait3A_55 = tpu.memref_slice %arg9[%mul3A_45, %dma_wait3A_54] : memref<10240x128xf32, #tpu.memory_space<vmem_shared>> -> memref<640x128xf32, #tpu.memory_space<vmem_shared>>
      tpu.wait_dma2 semaphore(%run_scoped3A : memref<!tpu.dma_semaphore, #tpu.memory_space<semaphore_mem>>) src(%dma_wait3A_55 : memref<640x128xf32, #tpu.memory_space<vmem_shared>>) dst(%dma_wait3A_53 : memref<640x128xf32, #tpu.memory_space<hbm>>)
      tpu.yield
    }) : () -> ()
    return
  }
}

#map = affine_map<(d0, d1) -> (0, 0, 0)>
#map1 = affine_map<(d0, d1) -> (0, 0)>
module attributes {stable_mosaic.version = 14 : i64} {
  func.func @_sc_degree_body(%arg0: i32, %arg1: i32, %arg2: memref<32x79x128xi32, #tpu.memory_space<hbm>>, %arg3: memref<32x10240xf32, #tpu.memory_space<hbm>>, %arg4: memref<79x128xi32, #tpu.memory_space<vmem>>, %arg5: memref<10240xf32, #tpu.memory_space<vmem>>) attributes {dimension_semantics = [#tpu.dimension_semantics<core_parallel>, #tpu.dimension_semantics<subcore_parallel>], iteration_bounds = array<i64: 2, 16>, scalar_prefetch = 0 : i64, scratch_operands = 2 : i64, tpu.core_type = #tpu.core_type<sc_vector_subcore>, window_params = [{transform_indices = #map}, {transform_indices = #map1}]} {
    %mul3A = arith.constant 2 : i32
    %mul3A_0 = arith.muli %arg1, %mul3A : i32
    %add3A = arith.addi %mul3A_0, %arg0 : i32
    %broadcast_in_dim3A = arith.constant 0.000000e+00 : f32
    %broadcast_in_dim3A_1 = vector.broadcast %broadcast_in_dim3A : f32 to vector<16xf32>
    %scan3A = arith.constant 0 : i32
    %scan3A_2 = arith.constant 0 : i32
    %scan3A_3 = arith.constant 640 : i32
    %scan3A_4 = arith.addi %scan3A_2, %scan3A_3 : i32
    %scan3A_5 = arith.constant 1 : i32
    scf.for %scan3A_15 = %scan3A_2 to %scan3A_4 step %scan3A_5  : i32 {
      %mul3A_16 = arith.constant 16 : i32
      %mul3A_17 = arith.muli %scan3A_15, %mul3A_16 : i32
      %swap3A = arith.index_cast %mul3A_17 : i32 to index
      %swap3A_18 = tpu.vector_load %arg5[%swap3A] {strides = array<i32>} : memref<10240xf32, #tpu.memory_space<vmem>>, vector<16xf32>,
      tpu.vector_store %arg5[%swap3A], %broadcast_in_dim3A_1 {strides = array<i32>} : memref<10240xf32, #tpu.memory_space<vmem>>, vector<16xf32>,
    }
    %scan3A_6 = arith.constant 640 : i32
    "tpu.region"() ({
      %run_scoped3A = tpu.sem_alloc : memref<!tpu.dma_semaphore, #tpu.memory_space<semaphore_mem>>
      %dma_start3A = arith.constant 0 : i32
      %dma_start3A_15 = arith.constant 0 : i32
      %dma_start3A_16 = tpu.memref_slice %arg2[%add3A, %dma_start3A, %dma_start3A_15] : memref<32x79x128xi32, #tpu.memory_space<hbm>> -> memref<1x79x128xi32, #tpu.memory_space<hbm>>
      %dma_start3A_17 = tpu.memref_squeeze %dma_start3A_16 : memref<1x79x128xi32, #tpu.memory_space<hbm>> -> memref<79x128xi32, #tpu.memory_space<hbm>>
      %dma_start3A_18 = arith.constant 0 : i32
      %dma_start3A_19 = arith.constant 0 : i32
      %dma_start3A_20 = tpu.memref_slice %arg2[%add3A, %dma_start3A_18, %dma_start3A_19] : memref<32x79x128xi32, #tpu.memory_space<hbm>> -> memref<1x79x128xi32, #tpu.memory_space<hbm>>
      %dma_start3A_21 = tpu.memref_squeeze %dma_start3A_20 : memref<1x79x128xi32, #tpu.memory_space<hbm>> -> memref<79x128xi32, #tpu.memory_space<hbm>>
      tpu.enqueue_dma source(%dma_start3A_21 : memref<79x128xi32, #tpu.memory_space<hbm>>) target(%arg4 : memref<79x128xi32, #tpu.memory_space<vmem>>) target_semaphore(%run_scoped3A : memref<!tpu.dma_semaphore, #tpu.memory_space<semaphore_mem>>)
      %dma_wait3A = arith.constant 0 : i32
      %dma_wait3A_22 = arith.constant 0 : i32
      %dma_wait3A_23 = tpu.memref_slice %arg2[%add3A, %dma_wait3A, %dma_wait3A_22] : memref<32x79x128xi32, #tpu.memory_space<hbm>> -> memref<1x79x128xi32, #tpu.memory_space<hbm>>
      %dma_wait3A_24 = tpu.memref_squeeze %dma_wait3A_23 : memref<1x79x128xi32, #tpu.memory_space<hbm>> -> memref<79x128xi32, #tpu.memory_space<hbm>>
      %dma_wait3A_25 = arith.constant 0 : i32
      %dma_wait3A_26 = arith.constant 0 : i32
      %dma_wait3A_27 = tpu.memref_slice %arg2[%add3A, %dma_wait3A_25, %dma_wait3A_26] : memref<32x79x128xi32, #tpu.memory_space<hbm>> -> memref<1x79x128xi32, #tpu.memory_space<hbm>>
      %dma_wait3A_28 = tpu.memref_squeeze %dma_wait3A_27 : memref<1x79x128xi32, #tpu.memory_space<hbm>> -> memref<79x128xi32, #tpu.memory_space<hbm>>
      tpu.wait_dma2 semaphore(%run_scoped3A : memref<!tpu.dma_semaphore, #tpu.memory_space<semaphore_mem>>) src(%dma_wait3A_28 : memref<79x128xi32, #tpu.memory_space<hbm>>) dst(%arg4 : memref<79x128xi32, #tpu.memory_space<vmem>>)
      tpu.yield
    }) : () -> ()
    %broadcast_in_dim3A_7 = arith.constant 1.000000e+00 : f32
    %broadcast_in_dim3A_8 = vector.broadcast %broadcast_in_dim3A_7 : f32 to vector<16xf32>
    %scan3A_9 = arith.constant 0 : i32
    %scan3A_10 = arith.constant 0 : i32
    %scan3A_11 = arith.constant 79 : i32
    %scan3A_12 = arith.addi %scan3A_10, %scan3A_11 : i32
    %scan3A_13 = arith.constant 1 : i32
    scf.for %scan3A_15 = %scan3A_10 to %scan3A_12 step %scan3A_13  : i32 {
      %get3A = arith.index_cast %scan3A_15 : i32 to index
      %get3A_16 = arith.constant 0 : index
      %get3A_17 = tpu.vector_load %arg4[%get3A, %get3A_16] {strides = array<i32>} : memref<79x128xi32, #tpu.memory_space<vmem>>, vector<16xi32>,
      tpu.vector_store_idx %arg5[%get3A_17], %broadcast_in_dim3A_8 {add = true} : memref<10240xf32, #tpu.memory_space<vmem>>[vector<16xi32>], vector<16xf32>,
      %get3A_18 = arith.index_cast %scan3A_15 : i32 to index
      %get3A_19 = arith.constant 16 : index
      %get3A_20 = tpu.vector_load %arg4[%get3A_18, %get3A_19] {strides = array<i32>} : memref<79x128xi32, #tpu.memory_space<vmem>>, vector<16xi32>,
      tpu.vector_store_idx %arg5[%get3A_20], %broadcast_in_dim3A_8 {add = true} : memref<10240xf32, #tpu.memory_space<vmem>>[vector<16xi32>], vector<16xf32>,
      %get3A_21 = arith.index_cast %scan3A_15 : i32 to index
      %get3A_22 = arith.constant 32 : index
      %get3A_23 = tpu.vector_load %arg4[%get3A_21, %get3A_22] {strides = array<i32>} : memref<79x128xi32, #tpu.memory_space<vmem>>, vector<16xi32>,
      tpu.vector_store_idx %arg5[%get3A_23], %broadcast_in_dim3A_8 {add = true} : memref<10240xf32, #tpu.memory_space<vmem>>[vector<16xi32>], vector<16xf32>,
      %get3A_24 = arith.index_cast %scan3A_15 : i32 to index
      %get3A_25 = arith.constant 48 : index
      %get3A_26 = tpu.vector_load %arg4[%get3A_24, %get3A_25] {strides = array<i32>} : memref<79x128xi32, #tpu.memory_space<vmem>>, vector<16xi32>,
      tpu.vector_store_idx %arg5[%get3A_26], %broadcast_in_dim3A_8 {add = true} : memref<10240xf32, #tpu.memory_space<vmem>>[vector<16xi32>], vector<16xf32>,
      %get3A_27 = arith.index_cast %scan3A_15 : i32 to index
      %get3A_28 = arith.constant 64 : index
      %get3A_29 = tpu.vector_load %arg4[%get3A_27, %get3A_28] {strides = array<i32>} : memref<79x128xi32, #tpu.memory_space<vmem>>, vector<16xi32>,
      tpu.vector_store_idx %arg5[%get3A_29], %broadcast_in_dim3A_8 {add = true} : memref<10240xf32, #tpu.memory_space<vmem>>[vector<16xi32>], vector<16xf32>,
      %get3A_30 = arith.index_cast %scan3A_15 : i32 to index
      %get3A_31 = arith.constant 80 : index
      %get3A_32 = tpu.vector_load %arg4[%get3A_30, %get3A_31] {strides = array<i32>} : memref<79x128xi32, #tpu.memory_space<vmem>>, vector<16xi32>,
      tpu.vector_store_idx %arg5[%get3A_32], %broadcast_in_dim3A_8 {add = true} : memref<10240xf32, #tpu.memory_space<vmem>>[vector<16xi32>], vector<16xf32>,
      %get3A_33 = arith.index_cast %scan3A_15 : i32 to index
      %get3A_34 = arith.constant 96 : index
      %get3A_35 = tpu.vector_load %arg4[%get3A_33, %get3A_34] {strides = array<i32>} : memref<79x128xi32, #tpu.memory_space<vmem>>, vector<16xi32>,
      tpu.vector_store_idx %arg5[%get3A_35], %broadcast_in_dim3A_8 {add = true} : memref<10240xf32, #tpu.memory_space<vmem>>[vector<16xi32>], vector<16xf32>,
      %get3A_36 = arith.index_cast %scan3A_15 : i32 to index
      %get3A_37 = arith.constant 112 : index
      %get3A_38 = tpu.vector_load %arg4[%get3A_36, %get3A_37] {strides = array<i32>} : memref<79x128xi32, #tpu.memory_space<vmem>>, vector<16xi32>,
      tpu.vector_store_idx %arg5[%get3A_38], %broadcast_in_dim3A_8 {add = true} : memref<10240xf32, #tpu.memory_space<vmem>>[vector<16xi32>], vector<16xf32>,
    }
    %scan3A_14 = arith.constant 79 : i32
    "tpu.region"() ({
      %run_scoped3A = tpu.sem_alloc : memref<!tpu.dma_semaphore, #tpu.memory_space<semaphore_mem>>
      %dma_start3A = arith.constant 0 : i32
      %dma_start3A_15 = tpu.memref_slice %arg3[%add3A, %dma_start3A] : memref<32x10240xf32, #tpu.memory_space<hbm>> -> memref<1x10240xf32, #tpu.memory_space<hbm>>
      %dma_start3A_16 = tpu.memref_squeeze %dma_start3A_15 : memref<1x10240xf32, #tpu.memory_space<hbm>> -> memref<10240xf32, #tpu.memory_space<hbm>>
      %dma_start3A_17 = arith.constant 0 : i32
      %dma_start3A_18 = tpu.memref_slice %arg3[%add3A, %dma_start3A_17] : memref<32x10240xf32, #tpu.memory_space<hbm>> -> memref<1x10240xf32, #tpu.memory_space<hbm>>
      %dma_start3A_19 = tpu.memref_squeeze %dma_start3A_18 : memref<1x10240xf32, #tpu.memory_space<hbm>> -> memref<10240xf32, #tpu.memory_space<hbm>>
      tpu.enqueue_dma source(%arg5 : memref<10240xf32, #tpu.memory_space<vmem>>) target(%dma_start3A_19 : memref<10240xf32, #tpu.memory_space<hbm>>) target_semaphore(%run_scoped3A : memref<!tpu.dma_semaphore, #tpu.memory_space<semaphore_mem>>)
      %dma_wait3A = arith.constant 0 : i32
      %dma_wait3A_20 = tpu.memref_slice %arg3[%add3A, %dma_wait3A] : memref<32x10240xf32, #tpu.memory_space<hbm>> -> memref<1x10240xf32, #tpu.memory_space<hbm>>
      %dma_wait3A_21 = tpu.memref_squeeze %dma_wait3A_20 : memref<1x10240xf32, #tpu.memory_space<hbm>> -> memref<10240xf32, #tpu.memory_space<hbm>>
      %dma_wait3A_22 = arith.constant 0 : i32
      %dma_wait3A_23 = tpu.memref_slice %arg3[%add3A, %dma_wait3A_22] : memref<32x10240xf32, #tpu.memory_space<hbm>> -> memref<1x10240xf32, #tpu.memory_space<hbm>>
      %dma_wait3A_24 = tpu.memref_squeeze %dma_wait3A_23 : memref<1x10240xf32, #tpu.memory_space<hbm>> -> memref<10240xf32, #tpu.memory_space<hbm>>
      tpu.wait_dma2 semaphore(%run_scoped3A : memref<!tpu.dma_semaphore, #tpu.memory_space<semaphore_mem>>) src(%arg5 : memref<10240xf32, #tpu.memory_space<vmem>>) dst(%dma_wait3A_24 : memref<10240xf32, #tpu.memory_space<hbm>>)
      tpu.yield
    }) : () -> ()
    return
  }
}

#map = affine_map<(d0, d1) -> (0, 0)>
#map1 = affine_map<(d0, d1) -> (0, 0, 0)>
module attributes {stable_mosaic.version = 14 : i64} {
  func.func @_sc_agg_body(%arg0: i32, %arg1: i32, %arg2: memref<10000x128xf32, #tpu.memory_space<hbm>>, %arg3: memref<32x79x128xi32, #tpu.memory_space<hbm>>, %arg4: memref<32x79x128xi32, #tpu.memory_space<hbm>>, %arg5: memref<2x10240x128xf32, #tpu.memory_space<hbm>>, %arg6: memref<79x128xi32, #tpu.memory_space<vmem>>, %arg7: memref<79x128xi32, #tpu.memory_space<vmem>>, %arg8: memref<128x128xf32, #tpu.memory_space<vmem>>, %arg9: memref<10240x128xf32, #tpu.memory_space<vmem_shared>>, %arg10: memref<!tpu.dma_semaphore, #tpu.memory_space<semaphore_mem>>) attributes {dimension_semantics = [#tpu.dimension_semantics<core_parallel>, #tpu.dimension_semantics<subcore_parallel>], iteration_bounds = array<i64: 2, 16>, scalar_prefetch = 0 : i64, scratch_operands = 5 : i64, tpu.core_type = #tpu.core_type<sc_vector_subcore>, window_params = [{transform_indices = #map}, {transform_indices = #map1}, {transform_indices = #map1}, {transform_indices = #map1}]} {
    %mul3A = arith.constant 2 : i32
    %mul3A_0 = arith.muli %arg1, %mul3A : i32
    %add3A = arith.addi %mul3A_0, %arg0 : i32
    %broadcast_in_dim3A = arith.constant 0.000000e+00 : f32
    %broadcast_in_dim3A_1 = vector.broadcast %broadcast_in_dim3A : f32 to vector<16xf32>
    %scan3A = arith.constant 0 : i32
    %scan3A_2 = arith.constant 0 : i32
    %scan3A_3 = arith.constant 128 : i32
    %scan3A_4 = arith.addi %scan3A_2, %scan3A_3 : i32
    %scan3A_5 = arith.constant 1 : i32
    scf.for %scan3A_48 = %scan3A_2 to %scan3A_4 step %scan3A_5  : i32 {
      %swap3A = arith.index_cast %scan3A_48 : i32 to index
      %swap3A_49 = arith.constant 0 : index
      %swap3A_50 = tpu.vector_load %arg8[%swap3A, %swap3A_49] {strides = array<i32>} : memref<128x128xf32, #tpu.memory_space<vmem>>, vector<16xf32>,
      tpu.vector_store %arg8[%swap3A, %swap3A_49], %broadcast_in_dim3A_1 {strides = array<i32>} : memref<128x128xf32, #tpu.memory_space<vmem>>, vector<16xf32>,
      %swap3A_51 = arith.index_cast %scan3A_48 : i32 to index
      %swap3A_52 = arith.constant 16 : index
      %swap3A_53 = tpu.vector_load %arg8[%swap3A_51, %swap3A_52] {strides = array<i32>} : memref<128x128xf32, #tpu.memory_space<vmem>>, vector<16xf32>,
      tpu.vector_store %arg8[%swap3A_51, %swap3A_52], %broadcast_in_dim3A_1 {strides = array<i32>} : memref<128x128xf32, #tpu.memory_space<vmem>>, vector<16xf32>,
      %swap3A_54 = arith.index_cast %scan3A_48 : i32 to index
      %swap3A_55 = arith.constant 32 : index
      %swap3A_56 = tpu.vector_load %arg8[%swap3A_54, %swap3A_55] {strides = array<i32>} : memref<128x128xf32, #tpu.memory_space<vmem>>, vector<16xf32>,
      tpu.vector_store %arg8[%swap3A_54, %swap3A_55], %broadcast_in_dim3A_1 {strides = array<i32>} : memref<128x128xf32, #tpu.memory_space<vmem>>, vector<16xf32>,
      %swap3A_57 = arith.index_cast %scan3A_48 : i32 to index
      %swap3A_58 = arith.constant 48 : index
      %swap3A_59 = tpu.vector_load %arg8[%swap3A_57, %swap3A_58] {strides = array<i32>} : memref<128x128xf32, #tpu.memory_space<vmem>>, vector<16xf32>,
      tpu.vector_store %arg8[%swap3A_57, %swap3A_58], %broadcast_in_dim3A_1 {strides = array<i32>} : memref<128x128xf32, #tpu.memory_space<vmem>>, vector<16xf32>,
      %swap3A_60 = arith.index_cast %scan3A_48 : i32 to index
      %swap3A_61 = arith.constant 64 : index
      %swap3A_62 = tpu.vector_load %arg8[%swap3A_60, %swap3A_61] {strides = array<i32>} : memref<128x128xf32, #tpu.memory_space<vmem>>, vector<16xf32>,
      tpu.vector_store %arg8[%swap3A_60, %swap3A_61], %broadcast_in_dim3A_1 {strides = array<i32>} : memref<128x128xf32, #tpu.memory_space<vmem>>, vector<16xf32>,
      %swap3A_63 = arith.index_cast %scan3A_48 : i32 to index
      %swap3A_64 = arith.constant 80 : index
      %swap3A_65 = tpu.vector_load %arg8[%swap3A_63, %swap3A_64] {strides = array<i32>} : memref<128x128xf32, #tpu.memory_space<vmem>>, vector<16xf32>,
      tpu.vector_store %arg8[%swap3A_63, %swap3A_64], %broadcast_in_dim3A_1 {strides = array<i32>} : memref<128x128xf32, #tpu.memory_space<vmem>>, vector<16xf32>,
      %swap3A_66 = arith.index_cast %scan3A_48 : i32 to index
      %swap3A_67 = arith.constant 96 : index
      %swap3A_68 = tpu.vector_load %arg8[%swap3A_66, %swap3A_67] {strides = array<i32>} : memref<128x128xf32, #tpu.memory_space<vmem>>, vector<16xf32>,
      tpu.vector_store %arg8[%swap3A_66, %swap3A_67], %broadcast_in_dim3A_1 {strides = array<i32>} : memref<128x128xf32, #tpu.memory_space<vmem>>, vector<16xf32>,
      %swap3A_69 = arith.index_cast %scan3A_48 : i32 to index
      %swap3A_70 = arith.constant 112 : index
      %swap3A_71 = tpu.vector_load %arg8[%swap3A_69, %swap3A_70] {strides = array<i32>} : memref<128x128xf32, #tpu.memory_space<vmem>>, vector<16xf32>,
      tpu.vector_store %arg8[%swap3A_69, %swap3A_70], %broadcast_in_dim3A_1 {strides = array<i32>} : memref<128x128xf32, #tpu.memory_space<vmem>>, vector<16xf32>,
    }
    %scan3A_6 = arith.constant 128 : i32
    %mul3A_7 = arith.constant 5 : i32
    %mul3A_8 = arith.muli %arg1, %mul3A_7 : i32
    %add3A_9 = arith.constant 0 : i32
    %add3A_10 = arith.addi %mul3A_8, %add3A_9 : i32
    %mul3A_11 = arith.constant 128 : i32
    %mul3A_12 = arith.muli %add3A_10, %mul3A_11 : i32
    "tpu.region"() ({
      %run_scoped3A = tpu.sem_alloc : memref<!tpu.dma_semaphore, #tpu.memory_space<semaphore_mem>>
      %dma_start3A = arith.constant 0 : i32
      %dma_start3A_48 = tpu.memref_slice %arg9[%mul3A_12, %dma_start3A] : memref<10240x128xf32, #tpu.memory_space<vmem_shared>> -> memref<128x128xf32, #tpu.memory_space<vmem_shared>>
      %dma_start3A_49 = arith.constant 0 : i32
      %dma_start3A_50 = tpu.memref_slice %arg9[%mul3A_12, %dma_start3A_49] : memref<10240x128xf32, #tpu.memory_space<vmem_shared>> -> memref<128x128xf32, #tpu.memory_space<vmem_shared>>
      tpu.enqueue_dma source(%arg8 : memref<128x128xf32, #tpu.memory_space<vmem>>) target(%dma_start3A_50 : memref<128x128xf32, #tpu.memory_space<vmem_shared>>) target_semaphore(%run_scoped3A : memref<!tpu.dma_semaphore, #tpu.memory_space<semaphore_mem>>)
      %dma_wait3A = arith.constant 0 : i32
      %dma_wait3A_51 = tpu.memref_slice %arg9[%mul3A_12, %dma_wait3A] : memref<10240x128xf32, #tpu.memory_space<vmem_shared>> -> memref<128x128xf32, #tpu.memory_space<vmem_shared>>
      %dma_wait3A_52 = arith.constant 0 : i32
      %dma_wait3A_53 = tpu.memref_slice %arg9[%mul3A_12, %dma_wait3A_52] : memref<10240x128xf32, #tpu.memory_space<vmem_shared>> -> memref<128x128xf32, #tpu.memory_space<vmem_shared>>
      tpu.wait_dma2 semaphore(%run_scoped3A : memref<!tpu.dma_semaphore, #tpu.memory_space<semaphore_mem>>) src(%arg8 : memref<128x128xf32, #tpu.memory_space<vmem>>) dst(%dma_wait3A_53 : memref<128x128xf32, #tpu.memory_space<vmem_shared>>)
      tpu.yield
    }) : () -> ()
    %mul3A_13 = arith.constant 5 : i32
    %mul3A_14 = arith.muli %arg1, %mul3A_13 : i32
    %add3A_15 = arith.constant 1 : i32
    %add3A_16 = arith.addi %mul3A_14, %add3A_15 : i32
    %mul3A_17 = arith.constant 128 : i32
    %mul3A_18 = arith.muli %add3A_16, %mul3A_17 : i32
    "tpu.region"() ({
      %run_scoped3A = tpu.sem_alloc : memref<!tpu.dma_semaphore, #tpu.memory_space<semaphore_mem>>
      %dma_start3A = arith.constant 0 : i32
      %dma_start3A_48 = tpu.memref_slice %arg9[%mul3A_18, %dma_start3A] : memref<10240x128xf32, #tpu.memory_space<vmem_shared>> -> memref<128x128xf32, #tpu.memory_space<vmem_shared>>
      %dma_start3A_49 = arith.constant 0 : i32
      %dma_start3A_50 = tpu.memref_slice %arg9[%mul3A_18, %dma_start3A_49] : memref<10240x128xf32, #tpu.memory_space<vmem_shared>> -> memref<128x128xf32, #tpu.memory_space<vmem_shared>>
      tpu.enqueue_dma source(%arg8 : memref<128x128xf32, #tpu.memory_space<vmem>>) target(%dma_start3A_50 : memref<128x128xf32, #tpu.memory_space<vmem_shared>>) target_semaphore(%run_scoped3A : memref<!tpu.dma_semaphore, #tpu.memory_space<semaphore_mem>>)
      %dma_wait3A = arith.constant 0 : i32
      %dma_wait3A_51 = tpu.memref_slice %arg9[%mul3A_18, %dma_wait3A] : memref<10240x128xf32, #tpu.memory_space<vmem_shared>> -> memref<128x128xf32, #tpu.memory_space<vmem_shared>>
      %dma_wait3A_52 = arith.constant 0 : i32
      %dma_wait3A_53 = tpu.memref_slice %arg9[%mul3A_18, %dma_wait3A_52] : memref<10240x128xf32, #tpu.memory_space<vmem_shared>> -> memref<128x128xf32, #tpu.memory_space<vmem_shared>>
      tpu.wait_dma2 semaphore(%run_scoped3A : memref<!tpu.dma_semaphore, #tpu.memory_space<semaphore_mem>>) src(%arg8 : memref<128x128xf32, #tpu.memory_space<vmem>>) dst(%dma_wait3A_53 : memref<128x128xf32, #tpu.memory_space<vmem_shared>>)
      tpu.yield
    }) : () -> ()
    %mul3A_19 = arith.constant 5 : i32
    %mul3A_20 = arith.muli %arg1, %mul3A_19 : i32
    %add3A_21 = arith.constant 2 : i32
    %add3A_22 = arith.addi %mul3A_20, %add3A_21 : i32
    %mul3A_23 = arith.constant 128 : i32
    %mul3A_24 = arith.muli %add3A_22, %mul3A_23 : i32
    "tpu.region"() ({
      %run_scoped3A = tpu.sem_alloc : memref<!tpu.dma_semaphore, #tpu.memory_space<semaphore_mem>>
      %dma_start3A = arith.constant 0 : i32
      %dma_start3A_48 = tpu.memref_slice %arg9[%mul3A_24, %dma_start3A] : memref<10240x128xf32, #tpu.memory_space<vmem_shared>> -> memref<128x128xf32, #tpu.memory_space<vmem_shared>>
      %dma_start3A_49 = arith.constant 0 : i32
      %dma_start3A_50 = tpu.memref_slice %arg9[%mul3A_24, %dma_start3A_49] : memref<10240x128xf32, #tpu.memory_space<vmem_shared>> -> memref<128x128xf32, #tpu.memory_space<vmem_shared>>
      tpu.enqueue_dma source(%arg8 : memref<128x128xf32, #tpu.memory_space<vmem>>) target(%dma_start3A_50 : memref<128x128xf32, #tpu.memory_space<vmem_shared>>) target_semaphore(%run_scoped3A : memref<!tpu.dma_semaphore, #tpu.memory_space<semaphore_mem>>)
      %dma_wait3A = arith.constant 0 : i32
      %dma_wait3A_51 = tpu.memref_slice %arg9[%mul3A_24, %dma_wait3A] : memref<10240x128xf32, #tpu.memory_space<vmem_shared>> -> memref<128x128xf32, #tpu.memory_space<vmem_shared>>
      %dma_wait3A_52 = arith.constant 0 : i32
      %dma_wait3A_53 = tpu.memref_slice %arg9[%mul3A_24, %dma_wait3A_52] : memref<10240x128xf32, #tpu.memory_space<vmem_shared>> -> memref<128x128xf32, #tpu.memory_space<vmem_shared>>
      tpu.wait_dma2 semaphore(%run_scoped3A : memref<!tpu.dma_semaphore, #tpu.memory_space<semaphore_mem>>) src(%arg8 : memref<128x128xf32, #tpu.memory_space<vmem>>) dst(%dma_wait3A_53 : memref<128x128xf32, #tpu.memory_space<vmem_shared>>)
      tpu.yield
    }) : () -> ()
    %mul3A_25 = arith.constant 5 : i32
    %mul3A_26 = arith.muli %arg1, %mul3A_25 : i32
    %add3A_27 = arith.constant 3 : i32
    %add3A_28 = arith.addi %mul3A_26, %add3A_27 : i32
    %mul3A_29 = arith.constant 128 : i32
    %mul3A_30 = arith.muli %add3A_28, %mul3A_29 : i32
    "tpu.region"() ({
      %run_scoped3A = tpu.sem_alloc : memref<!tpu.dma_semaphore, #tpu.memory_space<semaphore_mem>>
      %dma_start3A = arith.constant 0 : i32
      %dma_start3A_48 = tpu.memref_slice %arg9[%mul3A_30, %dma_start3A] : memref<10240x128xf32, #tpu.memory_space<vmem_shared>> -> memref<128x128xf32, #tpu.memory_space<vmem_shared>>
      %dma_start3A_49 = arith.constant 0 : i32
      %dma_start3A_50 = tpu.memref_slice %arg9[%mul3A_30, %dma_start3A_49] : memref<10240x128xf32, #tpu.memory_space<vmem_shared>> -> memref<128x128xf32, #tpu.memory_space<vmem_shared>>
      tpu.enqueue_dma source(%arg8 : memref<128x128xf32, #tpu.memory_space<vmem>>) target(%dma_start3A_50 : memref<128x128xf32, #tpu.memory_space<vmem_shared>>) target_semaphore(%run_scoped3A : memref<!tpu.dma_semaphore, #tpu.memory_space<semaphore_mem>>)
      %dma_wait3A = arith.constant 0 : i32
      %dma_wait3A_51 = tpu.memref_slice %arg9[%mul3A_30, %dma_wait3A] : memref<10240x128xf32, #tpu.memory_space<vmem_shared>> -> memref<128x128xf32, #tpu.memory_space<vmem_shared>>
      %dma_wait3A_52 = arith.constant 0 : i32
      %dma_wait3A_53 = tpu.memref_slice %arg9[%mul3A_30, %dma_wait3A_52] : memref<10240x128xf32, #tpu.memory_space<vmem_shared>> -> memref<128x128xf32, #tpu.memory_space<vmem_shared>>
      tpu.wait_dma2 semaphore(%run_scoped3A : memref<!tpu.dma_semaphore, #tpu.memory_space<semaphore_mem>>) src(%arg8 : memref<128x128xf32, #tpu.memory_space<vmem>>) dst(%dma_wait3A_53 : memref<128x128xf32, #tpu.memory_space<vmem_shared>>)
      tpu.yield
    }) : () -> ()
    %mul3A_31 = arith.constant 5 : i32
    %mul3A_32 = arith.muli %arg1, %mul3A_31 : i32
    %add3A_33 = arith.constant 4 : i32
    %add3A_34 = arith.addi %mul3A_32, %add3A_33 : i32
    %mul3A_35 = arith.constant 128 : i32
    %mul3A_36 = arith.muli %add3A_34, %mul3A_35 : i32
    "tpu.region"() ({
      %run_scoped3A = tpu.sem_alloc : memref<!tpu.dma_semaphore, #tpu.memory_space<semaphore_mem>>
      %dma_start3A = arith.constant 0 : i32
      %dma_start3A_48 = tpu.memref_slice %arg9[%mul3A_36, %dma_start3A] : memref<10240x128xf32, #tpu.memory_space<vmem_shared>> -> memref<128x128xf32, #tpu.memory_space<vmem_shared>>
      %dma_start3A_49 = arith.constant 0 : i32
      %dma_start3A_50 = tpu.memref_slice %arg9[%mul3A_36, %dma_start3A_49] : memref<10240x128xf32, #tpu.memory_space<vmem_shared>> -> memref<128x128xf32, #tpu.memory_space<vmem_shared>>
      tpu.enqueue_dma source(%arg8 : memref<128x128xf32, #tpu.memory_space<vmem>>) target(%dma_start3A_50 : memref<128x128xf32, #tpu.memory_space<vmem_shared>>) target_semaphore(%run_scoped3A : memref<!tpu.dma_semaphore, #tpu.memory_space<semaphore_mem>>)
      %dma_wait3A = arith.constant 0 : i32
      %dma_wait3A_51 = tpu.memref_slice %arg9[%mul3A_36, %dma_wait3A] : memref<10240x128xf32, #tpu.memory_space<vmem_shared>> -> memref<128x128xf32, #tpu.memory_space<vmem_shared>>
      %dma_wait3A_52 = arith.constant 0 : i32
      %dma_wait3A_53 = tpu.memref_slice %arg9[%mul3A_36, %dma_wait3A_52] : memref<10240x128xf32, #tpu.memory_space<vmem_shared>> -> memref<128x128xf32, #tpu.memory_space<vmem_shared>>
      tpu.wait_dma2 semaphore(%run_scoped3A : memref<!tpu.dma_semaphore, #tpu.memory_space<semaphore_mem>>) src(%arg8 : memref<128x128xf32, #tpu.memory_space<vmem>>) dst(%dma_wait3A_53 : memref<128x128xf32, #tpu.memory_space<vmem_shared>>)
      tpu.yield
    }) : () -> ()
    %barrier3A = arith.constant 0 : index
    tpu.barrier barrier_id(%barrier3A)
    "tpu.region"() ({
      %run_scoped3A = tpu.sem_alloc : memref<!tpu.dma_semaphore, #tpu.memory_space<semaphore_mem>>
      %dma_start3A = arith.constant 0 : i32
      %dma_start3A_48 = arith.constant 0 : i32
      %dma_start3A_49 = tpu.memref_slice %arg3[%add3A, %dma_start3A, %dma_start3A_48] : memref<32x79x128xi32, #tpu.memory_space<hbm>> -> memref<1x79x128xi32, #tpu.memory_space<hbm>>
      %dma_start3A_50 = tpu.memref_squeeze %dma_start3A_49 : memref<1x79x128xi32, #tpu.memory_space<hbm>> -> memref<79x128xi32, #tpu.memory_space<hbm>>
      %dma_start3A_51 = arith.constant 0 : i32
      %dma_start3A_52 = arith.constant 0 : i32
      %dma_start3A_53 = tpu.memref_slice %arg3[%add3A, %dma_start3A_51, %dma_start3A_52] : memref<32x79x128xi32, #tpu.memory_space<hbm>> -> memref<1x79x128xi32, #tpu.memory_space<hbm>>
      %dma_start3A_54 = tpu.memref_squeeze %dma_start3A_53 : memref<1x79x128xi32, #tpu.memory_space<hbm>> -> memref<79x128xi32, #tpu.memory_space<hbm>>
      tpu.enqueue_dma source(%dma_start3A_54 : memref<79x128xi32, #tpu.memory_space<hbm>>) target(%arg6 : memref<79x128xi32, #tpu.memory_space<vmem>>) target_semaphore(%run_scoped3A : memref<!tpu.dma_semaphore, #tpu.memory_space<semaphore_mem>>)
      %dma_wait3A = arith.constant 0 : i32
      %dma_wait3A_55 = arith.constant 0 : i32
      %dma_wait3A_56 = tpu.memref_slice %arg3[%add3A, %dma_wait3A, %dma_wait3A_55] : memref<32x79x128xi32, #tpu.memory_space<hbm>> -> memref<1x79x128xi32, #tpu.memory_space<hbm>>
      %dma_wait3A_57 = tpu.memref_squeeze %dma_wait3A_56 : memref<1x79x128xi32, #tpu.memory_space<hbm>> -> memref<79x128xi32, #tpu.memory_space<hbm>>
      %dma_wait3A_58 = arith.constant 0 : i32
      %dma_wait3A_59 = arith.constant 0 : i32
      %dma_wait3A_60 = tpu.memref_slice %arg3[%add3A, %dma_wait3A_58, %dma_wait3A_59] : memref<32x79x128xi32, #tpu.memory_space<hbm>> -> memref<1x79x128xi32, #tpu.memory_space<hbm>>
      %dma_wait3A_61 = tpu.memref_squeeze %dma_wait3A_60 : memref<1x79x128xi32, #tpu.memory_space<hbm>> -> memref<79x128xi32, #tpu.memory_space<hbm>>
      tpu.wait_dma2 semaphore(%run_scoped3A : memref<!tpu.dma_semaphore, #tpu.memory_space<semaphore_mem>>) src(%dma_wait3A_61 : memref<79x128xi32, #tpu.memory_space<hbm>>) dst(%arg6 : memref<79x128xi32, #tpu.memory_space<vmem>>)
      tpu.yield
    }) : () -> ()
    "tpu.region"() ({
      %run_scoped3A = tpu.sem_alloc : memref<!tpu.dma_semaphore, #tpu.memory_space<semaphore_mem>>
      %dma_start3A = arith.constant 0 : i32
      %dma_start3A_48 = arith.constant 0 : i32
      %dma_start3A_49 = tpu.memref_slice %arg4[%add3A, %dma_start3A, %dma_start3A_48] : memref<32x79x128xi32, #tpu.memory_space<hbm>> -> memref<1x79x128xi32, #tpu.memory_space<hbm>>
      %dma_start3A_50 = tpu.memref_squeeze %dma_start3A_49 : memref<1x79x128xi32, #tpu.memory_space<hbm>> -> memref<79x128xi32, #tpu.memory_space<hbm>>
      %dma_start3A_51 = arith.constant 0 : i32
      %dma_start3A_52 = arith.constant 0 : i32
      %dma_start3A_53 = tpu.memref_slice %arg4[%add3A, %dma_start3A_51, %dma_start3A_52] : memref<32x79x128xi32, #tpu.memory_space<hbm>> -> memref<1x79x128xi32, #tpu.memory_space<hbm>>
      %dma_start3A_54 = tpu.memref_squeeze %dma_start3A_53 : memref<1x79x128xi32, #tpu.memory_space<hbm>> -> memref<79x128xi32, #tpu.memory_space<hbm>>
      tpu.enqueue_dma source(%dma_start3A_54 : memref<79x128xi32, #tpu.memory_space<hbm>>) target(%arg7 : memref<79x128xi32, #tpu.memory_space<vmem>>) target_semaphore(%run_scoped3A : memref<!tpu.dma_semaphore, #tpu.memory_space<semaphore_mem>>)
      %dma_wait3A = arith.constant 0 : i32
      %dma_wait3A_55 = arith.constant 0 : i32
      %dma_wait3A_56 = tpu.memref_slice %arg4[%add3A, %dma_wait3A, %dma_wait3A_55] : memref<32x79x128xi32, #tpu.memory_space<hbm>> -> memref<1x79x128xi32, #tpu.memory_space<hbm>>
      %dma_wait3A_57 = tpu.memref_squeeze %dma_wait3A_56 : memref<1x79x128xi32, #tpu.memory_space<hbm>> -> memref<79x128xi32, #tpu.memory_space<hbm>>
      %dma_wait3A_58 = arith.constant 0 : i32
      %dma_wait3A_59 = arith.constant 0 : i32
      %dma_wait3A_60 = tpu.memref_slice %arg4[%add3A, %dma_wait3A_58, %dma_wait3A_59] : memref<32x79x128xi32, #tpu.memory_space<hbm>> -> memref<1x79x128xi32, #tpu.memory_space<hbm>>
      %dma_wait3A_61 = tpu.memref_squeeze %dma_wait3A_60 : memref<1x79x128xi32, #tpu.memory_space<hbm>> -> memref<79x128xi32, #tpu.memory_space<hbm>>
      tpu.wait_dma2 semaphore(%run_scoped3A : memref<!tpu.dma_semaphore, #tpu.memory_space<semaphore_mem>>) src(%dma_wait3A_61 : memref<79x128xi32, #tpu.memory_space<hbm>>) dst(%arg7 : memref<79x128xi32, #tpu.memory_space<vmem>>)
      tpu.yield
    }) : () -> ()
    %scan3A_37 = arith.constant 0 : i32
    %scan3A_38 = arith.constant 0 : i32
    %scan3A_39 = arith.constant 79 : i32
    %scan3A_40 = arith.addi %scan3A_38, %scan3A_39 : i32
    %scan3A_41 = arith.constant 1 : i32
    scf.for %scan3A_48 = %scan3A_38 to %scan3A_40 step %scan3A_41  : i32 {
      %dma_start3A = arith.constant 0 : i32
      %dma_start3A_49 = tpu.memref_slice %arg6[%scan3A_48, %dma_start3A] : memref<79x128xi32, #tpu.memory_space<vmem>> -> memref<1x128xi32, #tpu.memory_space<vmem>>
      %dma_start3A_50 = tpu.memref_squeeze %dma_start3A_49 : memref<1x128xi32, #tpu.memory_space<vmem>> -> memref<128xi32, #tpu.memory_space<vmem>>
      %dma_start3A_51 = arith.constant 0 : i32
      %dma_start3A_52 = arith.constant 0 : i32
      %dma_start3A_53 = tpu.memref_slice %arg2[%dma_start3A_51, %dma_start3A_52] : memref<10000x128xf32, #tpu.memory_space<hbm>> -> memref<10000x128xf32, #tpu.memory_space<hbm>>
      tpu.enqueue_indirect_dma source(%dma_start3A_53 : memref<10000x128xf32, #tpu.memory_space<hbm>>) target(%arg8 : memref<128x128xf32, #tpu.memory_space<vmem>>) offsets(%dma_start3A_50 : memref<128xi32, #tpu.memory_space<vmem>>) semaphore(%arg10 : memref<!tpu.dma_semaphore, #tpu.memory_space<semaphore_mem>>)
      %dma_wait3A = arith.constant 0 : i32
      %dma_wait3A_54 = tpu.memref_slice %arg6[%scan3A_48, %dma_wait3A] : memref<79x128xi32, #tpu.memory_space<vmem>> -> memref<1x128xi32, #tpu.memory_space<vmem>>
      %dma_wait3A_55 = tpu.memref_squeeze %dma_wait3A_54 : memref<1x128xi32, #tpu.memory_space<vmem>> -> memref<128xi32, #tpu.memory_space<vmem>>
      %dma_wait3A_56 = arith.constant 0 : i32
      %dma_wait3A_57 = arith.constant 0 : i32
      %dma_wait3A_58 = tpu.memref_slice %arg2[%dma_wait3A_56, %dma_wait3A_57] : memref<10000x128xf32, #tpu.memory_space<hbm>> -> memref<10000x128xf32, #tpu.memory_space<hbm>>
      tpu.wait_indirect_dma semaphore(%arg10 : memref<!tpu.dma_semaphore, #tpu.memory_space<semaphore_mem>>) src(%dma_wait3A_58 : memref<10000x128xf32, #tpu.memory_space<hbm>>) dst(%arg8 : memref<128x128xf32, #tpu.memory_space<vmem>>)
      "tpu.region"() ({
        %run_scoped3A = tpu.sem_alloc : memref<!tpu.dma_semaphore, #tpu.memory_space<semaphore_mem>>
        %dma_start3A_59 = arith.constant 0 : i32
        %dma_start3A_60 = tpu.memref_slice %arg7[%scan3A_48, %dma_start3A_59] : memref<79x128xi32, #tpu.memory_space<vmem>> -> memref<1x128xi32, #tpu.memory_space<vmem>>
        %dma_start3A_61 = tpu.memref_squeeze %dma_start3A_60 : memref<1x128xi32, #tpu.memory_space<vmem>> -> memref<128xi32, #tpu.memory_space<vmem>>
        %dma_start3A_62 = arith.constant 0 : i32
        %dma_start3A_63 = arith.constant 0 : i32
        %dma_start3A_64 = tpu.memref_slice %arg9[%dma_start3A_62, %dma_start3A_63] : memref<10240x128xf32, #tpu.memory_space<vmem_shared>> -> memref<10240x128xf32, #tpu.memory_space<vmem_shared>>
        tpu.enqueue_indirect_dma source(%arg8 : memref<128x128xf32, #tpu.memory_space<vmem>>) target(%dma_start3A_64 : memref<10240x128xf32, #tpu.memory_space<vmem_shared>>) offsets(%dma_start3A_61 : memref<128xi32, #tpu.memory_space<vmem>>) semaphore(%run_scoped3A : memref<!tpu.dma_semaphore, #tpu.memory_space<semaphore_mem>>) {add = true}
        %dma_wait3A_65 = arith.constant 0 : i32
        %dma_wait3A_66 = tpu.memref_slice %arg7[%scan3A_48, %dma_wait3A_65] : memref<79x128xi32, #tpu.memory_space<vmem>> -> memref<1x128xi32, #tpu.memory_space<vmem>>
        %dma_wait3A_67 = tpu.memref_squeeze %dma_wait3A_66 : memref<1x128xi32, #tpu.memory_space<vmem>> -> memref<128xi32, #tpu.memory_space<vmem>>
        %dma_wait3A_68 = arith.constant 0 : i32
        %dma_wait3A_69 = arith.constant 0 : i32
        %dma_wait3A_70 = tpu.memref_slice %arg9[%dma_wait3A_68, %dma_wait3A_69] : memref<10240x128xf32, #tpu.memory_space<vmem_shared>> -> memref<10240x128xf32, #tpu.memory_space<vmem_shared>>
        tpu.wait_indirect_dma semaphore(%run_scoped3A : memref<!tpu.dma_semaphore, #tpu.memory_space<semaphore_mem>>) src(%arg8 : memref<128x128xf32, #tpu.memory_space<vmem>>) dst(%dma_wait3A_70 : memref<10240x128xf32, #tpu.memory_space<vmem_shared>>)
        tpu.yield
      }) : () -> ()
    }
    %scan3A_42 = arith.constant 79 : i32
    %barrier3A_43 = arith.constant 0 : index
    tpu.barrier barrier_id(%barrier3A_43)
    %mul3A_44 = arith.constant 640 : i32
    %mul3A_45 = arith.muli %arg1, %mul3A_44 : i32
    %mul3A_46 = arith.constant 640 : i32
    %mul3A_47 = arith.muli %arg1, %mul3A_46 : i32
    "tpu.region"() ({
      %run_scoped3A = tpu.sem_alloc : memref<!tpu.dma_semaphore, #tpu.memory_space<semaphore_mem>>
      %dma_start3A = arith.constant 0 : i32
      %dma_start3A_48 = tpu.memref_slice %arg5[%arg0, %mul3A_47, %dma_start3A] : memref<2x10240x128xf32, #tpu.memory_space<hbm>> -> memref<1x640x128xf32, #tpu.memory_space<hbm>>
      %dma_start3A_49 = tpu.memref_squeeze %dma_start3A_48 : memref<1x640x128xf32, #tpu.memory_space<hbm>> -> memref<640x128xf32, #tpu.memory_space<hbm>>
      %dma_start3A_50 = arith.constant 0 : i32
      %dma_start3A_51 = tpu.memref_slice %arg9[%mul3A_45, %dma_start3A_50] : memref<10240x128xf32, #tpu.memory_space<vmem_shared>> -> memref<640x128xf32, #tpu.memory_space<vmem_shared>>
      tpu.enqueue_dma source(%dma_start3A_51 : memref<640x128xf32, #tpu.memory_space<vmem_shared>>) target(%dma_start3A_49 : memref<640x128xf32, #tpu.memory_space<hbm>>) target_semaphore(%run_scoped3A : memref<!tpu.dma_semaphore, #tpu.memory_space<semaphore_mem>>)
      %dma_wait3A = arith.constant 0 : i32
      %dma_wait3A_52 = tpu.memref_slice %arg5[%arg0, %mul3A_47, %dma_wait3A] : memref<2x10240x128xf32, #tpu.memory_space<hbm>> -> memref<1x640x128xf32, #tpu.memory_space<hbm>>
      %dma_wait3A_53 = tpu.memref_squeeze %dma_wait3A_52 : memref<1x640x128xf32, #tpu.memory_space<hbm>> -> memref<640x128xf32, #tpu.memory_space<hbm>>
      %dma_wait3A_54 = arith.constant 0 : i32
      %dma_wait3A_55 = tpu.memref_slice %arg9[%mul3A_45, %dma_wait3A_54] : memref<10240x128xf32, #tpu.memory_space<vmem_shared>> -> memref<640x128xf32, #tpu.memory_space<vmem_shared>>
      tpu.wait_dma2 semaphore(%run_scoped3A : memref<!tpu.dma_semaphore, #tpu.memory_space<semaphore_mem>>) src(%dma_wait3A_55 : memref<640x128xf32, #tpu.memory_space<vmem_shared>>) dst(%dma_wait3A_53 : memref<640x128xf32, #tpu.memory_space<hbm>>)
      tpu.yield
    }) : () -> ()
    return
  }
}

module attributes {stable_mosaic.version = 14 : i64} {
  func.func @_tc1_body(%arg0: memref<32x10240xf32, #tpu.memory_space<vmem>>, %arg1: memref<10000x128xf32, #tpu.memory_space<vmem>>, %arg2: memref<128x128xf32, #tpu.memory_space<vmem>>, %arg3: memref<1x10240xf32, #tpu.memory_space<vmem>>, %arg4: memref<10000x128xf32, #tpu.memory_space<vmem>>) attributes {dimension_semantics = [], scalar_prefetch = 0 : i64, scratch_operands = 0 : i64, tpu.core_type = #tpu.core_type<tc>} {
    %get3A = arith.constant 0 : index
    %get3A_0 = arith.constant 0 : index
    %get3A_1 = vector.load %arg0[%get3A, %get3A_0] : memref<32x10240xf32, #tpu.memory_space<vmem>>, vector<32x10240xf32>
    %reduce_sum3A = arith.constant dense<0.000000e+00> : vector<10240xf32>
    %reduce_sum3A_2 = vector.multi_reduction <add>, %get3A_1, %reduce_sum3A [0] : vector<32x10240xf32> to vector<10240xf32>
    %broadcast_in_dim3A = vector.shape_cast %reduce_sum3A_2 : vector<10240xf32> to vector<1x10240xf32>
    %add3A = arith.constant 1.000000e+00 : f32
    %add3A_3 = vector.broadcast %add3A : f32 to vector<1x10240xf32>
    %add3A_4 = arith.addf %broadcast_in_dim3A, %add3A_3 : vector<1x10240xf32>
    %rsqrt3A = math.rsqrt %add3A_4 : vector<1x10240xf32>
    %swap3A = arith.constant 0 : index
    %swap3A_5 = arith.constant 0 : index
    %swap3A_6 = vector.load %arg3[%swap3A, %swap3A_5] : memref<1x10240xf32, #tpu.memory_space<vmem>>, vector<1x10240xf32>
    tpu.vector_store %arg3[%swap3A, %swap3A_5], %rsqrt3A {strides = array<i32>} : memref<1x10240xf32, #tpu.memory_space<vmem>>, vector<1x10240xf32>,
    %get3A_7 = arith.constant 0 : index
    %get3A_8 = arith.constant 0 : index
    %get3A_9 = vector.load %arg1[%get3A_7, %get3A_8] : memref<10000x128xf32, #tpu.memory_space<vmem>>, vector<10000x128xf32>
    %get3A_10 = arith.constant 0 : index
    %get3A_11 = arith.constant 0 : index
    %get3A_12 = vector.load %arg2[%get3A_10, %get3A_11] : memref<128x128xf32, #tpu.memory_space<vmem>>, vector<128x128xf32>
    %dot_general3A = arith.constant dense<0.000000e+00> : vector<10000x128xf32>
    %dot_general3A_13 = tpu.matmul %get3A_9, %get3A_12, %dot_general3A {dimension_numbers = #tpu.dot_dimension_numbers<[1], [0], [0], [1], [0, 0, 1, 1], [], []>, transpose_lhs_hint = false} : vector<10000x128xf32>, vector<128x128xf32>, vector<10000x128xf32> -> vector<10000x128xf32>
    %swap3A_14 = arith.constant 0 : index
    %swap3A_15 = arith.constant 0 : index
    %swap3A_16 = vector.load %arg4[%swap3A_14, %swap3A_15] : memref<10000x128xf32, #tpu.memory_space<vmem>>, vector<10000x128xf32>
    tpu.vector_store %arg4[%swap3A_14, %swap3A_15], %dot_general3A_13 {strides = array<i32>} : memref<10000x128xf32, #tpu.memory_space<vmem>>, vector<10000x128xf32>,
    return
  }
}

module attributes {stable_mosaic.version = 14 : i64} {
  func.func @_tc_scale_body(%arg0: memref<10000x128xf32, #tpu.memory_space<vmem>>, %arg1: memref<10000x1xf32, #tpu.memory_space<vmem>>, %arg2: memref<10000x128xf32, #tpu.memory_space<vmem>>) attributes {dimension_semantics = [], scalar_prefetch = 0 : i64, scratch_operands = 0 : i64, tpu.core_type = #tpu.core_type<tc>} {
    %get3A = arith.constant 0 : index
    %get3A_0 = arith.constant 0 : index
    %get3A_1 = vector.load %arg0[%get3A, %get3A_0] : memref<10000x128xf32, #tpu.memory_space<vmem>>, vector<10000x128xf32>
    %get3A_2 = arith.constant 0 : index
    %get3A_3 = arith.constant 0 : index
    %get3A_4 = vector.load %arg1[%get3A_2, %get3A_3] : memref<10000x1xf32, #tpu.memory_space<vmem>>, vector<10000x1xf32>
    %mul3A = vector.broadcast %get3A_4 : vector<10000x1xf32> to vector<10000x128xf32>
    %mul3A_5 = arith.mulf %get3A_1, %mul3A : vector<10000x128xf32>
    %swap3A = arith.constant 0 : index
    %swap3A_6 = arith.constant 0 : index
    %swap3A_7 = vector.load %arg2[%swap3A, %swap3A_6] : memref<10000x128xf32, #tpu.memory_space<vmem>>, vector<10000x128xf32>
    tpu.vector_store %arg2[%swap3A, %swap3A_6], %mul3A_5 {strides = array<i32>} : memref<10000x128xf32, #tpu.memory_space<vmem>>, vector<10000x128xf32>,
    return
  }
}

module attributes {stable_mosaic.version = 14 : i64} {
  func.func @_tc_mid_body(%arg0: memref<2x10240x128xf32, #tpu.memory_space<vmem>>, %arg1: memref<10000x128xf32, #tpu.memory_space<vmem>>, %arg2: memref<10000x1xf32, #tpu.memory_space<vmem>>, %arg3: memref<1x128xf32, #tpu.memory_space<vmem>>, %arg4: memref<1x128xf32, #tpu.memory_space<vmem>>, %arg5: memref<1x128xf32, #tpu.memory_space<vmem>>, %arg6: memref<128x128xf32, #tpu.memory_space<vmem>>, %arg7: memref<10000x128xf32, #tpu.memory_space<vmem>>) attributes {dimension_semantics = [], scalar_prefetch = 0 : i64, scratch_operands = 0 : i64, tpu.core_type = #tpu.core_type<tc>} {
    %get3A = arith.constant 0 : index
    %get3A_0 = arith.constant 0 : index
    %get3A_1 = arith.constant 0 : index
    %get3A_2 = vector.load %arg0[%get3A, %get3A_0, %get3A_1] : memref<2x10240x128xf32, #tpu.memory_space<vmem>>, vector<1x10000x128xf32>
    %get3A_3 = vector.shape_cast %get3A_2 : vector<1x10000x128xf32> to vector<10000x128xf32>
    %get3A_4 = arith.constant 1 : index
    %get3A_5 = arith.constant 0 : index
    %get3A_6 = arith.constant 0 : index
    %get3A_7 = vector.load %arg0[%get3A_4, %get3A_5, %get3A_6] : memref<2x10240x128xf32, #tpu.memory_space<vmem>>, vector<1x10000x128xf32>
    %get3A_8 = vector.shape_cast %get3A_7 : vector<1x10000x128xf32> to vector<10000x128xf32>
    %add3A = arith.addf %get3A_3, %get3A_8 : vector<10000x128xf32>
    %get3A_9 = arith.constant 0 : index
    %get3A_10 = arith.constant 0 : index
    %get3A_11 = vector.load %arg1[%get3A_9, %get3A_10] : memref<10000x128xf32, #tpu.memory_space<vmem>>, vector<10000x128xf32>
    %add3A_12 = arith.addf %add3A, %get3A_11 : vector<10000x128xf32>
    %get3A_13 = arith.constant 0 : index
    %get3A_14 = arith.constant 0 : index
    %get3A_15 = vector.load %arg2[%get3A_13, %get3A_14] : memref<10000x1xf32, #tpu.memory_space<vmem>>, vector<10000x1xf32>
    %mul3A = vector.broadcast %get3A_15 : vector<10000x1xf32> to vector<10000x128xf32>
    %mul3A_16 = arith.mulf %add3A_12, %mul3A : vector<10000x128xf32>
    %get3A_17 = arith.constant 0 : index
    %get3A_18 = arith.constant 0 : index
    %get3A_19 = vector.load %arg3[%get3A_17, %get3A_18] : memref<1x128xf32, #tpu.memory_space<vmem>>, vector<1x128xf32>
    %add3A_20 = vector.broadcast %get3A_19 : vector<1x128xf32> to vector<10000x128xf32>
    %add3A_21 = arith.addf %mul3A_16, %add3A_20 : vector<10000x128xf32>
    %get3A_22 = arith.constant 0 : index
    %get3A_23 = arith.constant 0 : index
    %get3A_24 = vector.load %arg4[%get3A_22, %get3A_23] : memref<1x128xf32, #tpu.memory_space<vmem>>, vector<1x128xf32>
    %get3A_25 = arith.constant 0 : index
    %get3A_26 = arith.constant 0 : index
    %get3A_27 = vector.load %arg5[%get3A_25, %get3A_26] : memref<1x128xf32, #tpu.memory_space<vmem>>, vector<1x128xf32>
    %reduce_sum3A = arith.constant dense<0.000000e+00> : vector<128xf32>
    %reduce_sum3A_28 = vector.multi_reduction <add>, %add3A_21, %reduce_sum3A [0] : vector<10000x128xf32> to vector<128xf32>
    %broadcast_in_dim3A = vector.shape_cast %reduce_sum3A_28 : vector<128xf32> to vector<1x128xf32>
    %div3A = arith.constant 1.000000e+04 : f32
    %div3A_29 = vector.broadcast %div3A : f32 to vector<1x128xf32>
    %div3A_30 = arith.divf %broadcast_in_dim3A, %div3A_29 : vector<1x128xf32>
    %sub3A = vector.broadcast %div3A_30 : vector<1x128xf32> to vector<10000x128xf32>
    %sub3A_31 = arith.subf %add3A_21, %sub3A : vector<10000x128xf32>
    %mul3A_32 = arith.mulf %sub3A_31, %sub3A_31 : vector<10000x128xf32>
    %reduce_sum3A_33 = arith.constant dense<0.000000e+00> : vector<128xf32>
    %reduce_sum3A_34 = vector.multi_reduction <add>, %mul3A_32, %reduce_sum3A_33 [0] : vector<10000x128xf32> to vector<128xf32>
    %broadcast_in_dim3A_35 = vector.shape_cast %reduce_sum3A_34 : vector<128xf32> to vector<1x128xf32>
    %div3A_36 = arith.constant 1.000000e+04 : f32
    %div3A_37 = vector.broadcast %div3A_36 : f32 to vector<1x128xf32>
    %div3A_38 = arith.divf %broadcast_in_dim3A_35, %div3A_37 : vector<1x128xf32>
    %mul3A_39 = vector.broadcast %get3A_24 : vector<1x128xf32> to vector<10000x128xf32>
    %mul3A_40 = arith.mulf %mul3A_39, %sub3A_31 : vector<10000x128xf32>
    %add3A_41 = arith.constant 9.99999974E-6 : f32
    %add3A_42 = vector.broadcast %add3A_41 : f32 to vector<1x128xf32>
    %add3A_43 = arith.addf %div3A_38, %add3A_42 : vector<1x128xf32>
    %rsqrt3A = math.rsqrt %add3A_43 : vector<1x128xf32>
    %mul3A_44 = vector.broadcast %rsqrt3A : vector<1x128xf32> to vector<10000x128xf32>
    %mul3A_45 = arith.mulf %mul3A_40, %mul3A_44 : vector<10000x128xf32>
    %add3A_46 = vector.broadcast %get3A_27 : vector<1x128xf32> to vector<10000x128xf32>
    %add3A_47 = arith.addf %mul3A_45, %add3A_46 : vector<10000x128xf32>
    %max3A = arith.constant 0.000000e+00 : f32
    %max3A_48 = vector.broadcast %max3A : f32 to vector<10000x128xf32>
    %max3A_49 = arith.maximumf %add3A_47, %max3A_48 : vector<10000x128xf32>
    %get3A_50 = arith.constant 0 : index
    %get3A_51 = arith.constant 0 : index
    %get3A_52 = vector.load %arg6[%get3A_50, %get3A_51] : memref<128x128xf32, #tpu.memory_space<vmem>>, vector<128x128xf32>
    %dot_general3A = arith.constant dense<0.000000e+00> : vector<10000x128xf32>
    %dot_general3A_53 = tpu.matmul %max3A_49, %get3A_52, %dot_general3A {dimension_numbers = #tpu.dot_dimension_numbers<[1], [0], [0], [1], [0, 0, 1, 1], [], []>, transpose_lhs_hint = false} : vector<10000x128xf32>, vector<128x128xf32>, vector<10000x128xf32> -> vector<10000x128xf32>
    %get3A_54 = arith.constant 0 : index
    %get3A_55 = arith.constant 0 : index
    %get3A_56 = vector.load %arg2[%get3A_54, %get3A_55] : memref<10000x1xf32, #tpu.memory_space<vmem>>, vector<10000x1xf32>
    %mul3A_57 = vector.broadcast %get3A_56 : vector<10000x1xf32> to vector<10000x128xf32>
    %mul3A_58 = arith.mulf %dot_general3A_53, %mul3A_57 : vector<10000x128xf32>
    %swap3A = arith.constant 0 : index
    %swap3A_59 = arith.constant 0 : index
    %swap3A_60 = vector.load %arg7[%swap3A, %swap3A_59] : memref<10000x128xf32, #tpu.memory_space<vmem>>, vector<10000x128xf32>
    tpu.vector_store %arg7[%swap3A, %swap3A_59], %mul3A_58 {strides = array<i32>} : memref<10000x128xf32, #tpu.memory_space<vmem>>, vector<10000x128xf32>,
    return
  }
}

module attributes {stable_mosaic.version = 14 : i64} {
  func.func @_tc_final_body(%arg0: memref<2x10240x128xf32, #tpu.memory_space<vmem>>, %arg1: memref<10000x128xf32, #tpu.memory_space<vmem>>, %arg2: memref<10000x1xf32, #tpu.memory_space<vmem>>, %arg3: memref<1x128xf32, #tpu.memory_space<vmem>>, %arg4: memref<1x128xf32, #tpu.memory_space<vmem>>, %arg5: memref<1x128xf32, #tpu.memory_space<vmem>>, %arg6: memref<1x10000xi32, #tpu.memory_space<vmem>>, %arg7: memref<128x128xf32, #tpu.memory_space<vmem>>, %arg8: memref<128xf32, #tpu.memory_space<vmem>>, %arg9: memref<128x128xf32, #tpu.memory_space<vmem>>, %arg10: memref<128xf32, #tpu.memory_space<vmem>>, %arg11: memref<64x128xf32, #tpu.memory_space<vmem>>) attributes {dimension_semantics = [], scalar_prefetch = 0 : i64, scratch_operands = 0 : i64, tpu.core_type = #tpu.core_type<tc>} {
    %get3A = arith.constant 0 : index
    %get3A_0 = arith.constant 0 : index
    %get3A_1 = arith.constant 0 : index
    %get3A_2 = vector.load %arg0[%get3A, %get3A_0, %get3A_1] : memref<2x10240x128xf32, #tpu.memory_space<vmem>>, vector<1x10000x128xf32>
    %get3A_3 = vector.shape_cast %get3A_2 : vector<1x10000x128xf32> to vector<10000x128xf32>
    %get3A_4 = arith.constant 1 : index
    %get3A_5 = arith.constant 0 : index
    %get3A_6 = arith.constant 0 : index
    %get3A_7 = vector.load %arg0[%get3A_4, %get3A_5, %get3A_6] : memref<2x10240x128xf32, #tpu.memory_space<vmem>>, vector<1x10000x128xf32>
    %get3A_8 = vector.shape_cast %get3A_7 : vector<1x10000x128xf32> to vector<10000x128xf32>
    %add3A = arith.addf %get3A_3, %get3A_8 : vector<10000x128xf32>
    %get3A_9 = arith.constant 0 : index
    %get3A_10 = arith.constant 0 : index
    %get3A_11 = vector.load %arg1[%get3A_9, %get3A_10] : memref<10000x128xf32, #tpu.memory_space<vmem>>, vector<10000x128xf32>
    %add3A_12 = arith.addf %add3A, %get3A_11 : vector<10000x128xf32>
    %get3A_13 = arith.constant 0 : index
    %get3A_14 = arith.constant 0 : index
    %get3A_15 = vector.load %arg2[%get3A_13, %get3A_14] : memref<10000x1xf32, #tpu.memory_space<vmem>>, vector<10000x1xf32>
    %mul3A = vector.broadcast %get3A_15 : vector<10000x1xf32> to vector<10000x128xf32>
    %mul3A_16 = arith.mulf %add3A_12, %mul3A : vector<10000x128xf32>
    %get3A_17 = arith.constant 0 : index
    %get3A_18 = arith.constant 0 : index
    %get3A_19 = vector.load %arg3[%get3A_17, %get3A_18] : memref<1x128xf32, #tpu.memory_space<vmem>>, vector<1x128xf32>
    %add3A_20 = vector.broadcast %get3A_19 : vector<1x128xf32> to vector<10000x128xf32>
    %add3A_21 = arith.addf %mul3A_16, %add3A_20 : vector<10000x128xf32>
    %get3A_22 = arith.constant 0 : index
    %get3A_23 = arith.constant 0 : index
    %get3A_24 = vector.load %arg4[%get3A_22, %get3A_23] : memref<1x128xf32, #tpu.memory_space<vmem>>, vector<1x128xf32>
    %get3A_25 = arith.constant 0 : index
    %get3A_26 = arith.constant 0 : index
    %get3A_27 = vector.load %arg5[%get3A_25, %get3A_26] : memref<1x128xf32, #tpu.memory_space<vmem>>, vector<1x128xf32>
    %reduce_sum3A = arith.constant dense<0.000000e+00> : vector<128xf32>
    %reduce_sum3A_28 = vector.multi_reduction <add>, %add3A_21, %reduce_sum3A [0] : vector<10000x128xf32> to vector<128xf32>
    %broadcast_in_dim3A = vector.shape_cast %reduce_sum3A_28 : vector<128xf32> to vector<1x128xf32>
    %div3A = arith.constant 1.000000e+04 : f32
    %div3A_29 = vector.broadcast %div3A : f32 to vector<1x128xf32>
    %div3A_30 = arith.divf %broadcast_in_dim3A, %div3A_29 : vector<1x128xf32>
    %sub3A = vector.broadcast %div3A_30 : vector<1x128xf32> to vector<10000x128xf32>
    %sub3A_31 = arith.subf %add3A_21, %sub3A : vector<10000x128xf32>
    %mul3A_32 = arith.mulf %sub3A_31, %sub3A_31 : vector<10000x128xf32>
    %reduce_sum3A_33 = arith.constant dense<0.000000e+00> : vector<128xf32>
    %reduce_sum3A_34 = vector.multi_reduction <add>, %mul3A_32, %reduce_sum3A_33 [0] : vector<10000x128xf32> to vector<128xf32>
    %broadcast_in_dim3A_35 = vector.shape_cast %reduce_sum3A_34 : vector<128xf32> to vector<1x128xf32>
    %div3A_36 = arith.constant 1.000000e+04 : f32
    %div3A_37 = vector.broadcast %div3A_36 : f32 to vector<1x128xf32>
    %div3A_38 = arith.divf %broadcast_in_dim3A_35, %div3A_37 : vector<1x128xf32>
    %mul3A_39 = vector.broadcast %get3A_24 : vector<1x128xf32> to vector<10000x128xf32>
    %mul3A_40 = arith.mulf %mul3A_39, %sub3A_31 : vector<10000x128xf32>
    %add3A_41 = arith.constant 9.99999974E-6 : f32
    %add3A_42 = vector.broadcast %add3A_41 : f32 to vector<1x128xf32>
    %add3A_43 = arith.addf %div3A_38, %add3A_42 : vector<1x128xf32>
    %rsqrt3A = math.rsqrt %add3A_43 : vector<1x128xf32>
    %mul3A_44 = vector.broadcast %rsqrt3A : vector<1x128xf32> to vector<10000x128xf32>
    %mul3A_45 = arith.mulf %mul3A_40, %mul3A_44 : vector<10000x128xf32>
    %add3A_46 = vector.broadcast %get3A_27 : vector<1x128xf32> to vector<10000x128xf32>
    %add3A_47 = arith.addf %mul3A_45, %add3A_46 : vector<10000x128xf32>
    %max3A = arith.constant 0.000000e+00 : f32
    %max3A_48 = vector.broadcast %max3A : f32 to vector<10000x128xf32>
    %max3A_49 = arith.maximumf %add3A_47, %max3A_48 : vector<10000x128xf32>
    %iota3A = tpu.iota {dimensions = array<i32: 0>} : vector<64x10000xi32>
    %get3A_50 = arith.constant 0 : index
    %get3A_51 = arith.constant 0 : index
    %get3A_52 = vector.load %arg6[%get3A_50, %get3A_51] : memref<1x10000xi32, #tpu.memory_space<vmem>>, vector<1x10000xi32>
    %eq3A = vector.broadcast %get3A_52 : vector<1x10000xi32> to vector<64x10000xi32>
    %eq3A_53 = arith.cmpi eq, %iota3A, %eq3A : vector<64x10000xi32>
    %convert_element_type3A = arith.extui %eq3A_53 : vector<64x10000xi1> to vector<64x10000xi32>
    %convert_element_type3A_54 = arith.sitofp %convert_element_type3A : vector<64x10000xi32> to vector<64x10000xf32>
    %reduce_sum3A_55 = arith.constant dense<0.000000e+00> : vector<64xf32>
    %reduce_sum3A_56 = vector.multi_reduction <add>, %convert_element_type3A_54, %reduce_sum3A_55 [1] : vector<64x10000xf32> to vector<64xf32>
    %broadcast_in_dim3A_57 = vector.shape_cast %reduce_sum3A_56 : vector<64xf32> to vector<64x1xf32>
    %dot_general3A = arith.constant dense<0.000000e+00> : vector<64x128xf32>
    %dot_general3A_58 = tpu.matmul %convert_element_type3A_54, %max3A_49, %dot_general3A {dimension_numbers = #tpu.dot_dimension_numbers<[1], [0], [0], [1], [0, 0, 1, 1], [], []>, transpose_lhs_hint = false} : vector<64x10000xf32>, vector<10000x128xf32>, vector<64x128xf32> -> vector<64x128xf32>
    %max3A_59 = arith.constant 1.000000e+00 : f32
    %max3A_60 = vector.broadcast %max3A_59 : f32 to vector<64x1xf32>
    %max3A_61 = arith.maximumf %broadcast_in_dim3A_57, %max3A_60 : vector<64x1xf32>
    %div3A_62 = vector.broadcast %max3A_61 : vector<64x1xf32> to vector<64x128xf32>
    %div3A_63 = arith.divf %dot_general3A_58, %div3A_62 : vector<64x128xf32>
    %get3A_64 = arith.constant 0 : index
    %get3A_65 = arith.constant 0 : index
    %get3A_66 = vector.load %arg7[%get3A_64, %get3A_65] : memref<128x128xf32, #tpu.memory_space<vmem>>, vector<128x128xf32>
    %dot_general3A_67 = arith.constant dense<0.000000e+00> : vector<64x128xf32>
    %dot_general3A_68 = tpu.matmul %div3A_63, %get3A_66, %dot_general3A_67 {dimension_numbers = #tpu.dot_dimension_numbers<[1], [0], [0], [1], [0, 0, 1, 1], [], []>, transpose_lhs_hint = false} : vector<64x128xf32>, vector<128x128xf32>, vector<64x128xf32> -> vector<64x128xf32>
    %get3A_69 = arith.constant 0 : index
    %get3A_70 = vector.load %arg8[%get3A_69] : memref<128xf32, #tpu.memory_space<vmem>>, vector<128xf32>
    %broadcast_in_dim3A_71 = vector.shape_cast %get3A_70 : vector<128xf32> to vector<1x128xf32>
    %add3A_72 = vector.broadcast %broadcast_in_dim3A_71 : vector<1x128xf32> to vector<64x128xf32>
    %add3A_73 = arith.addf %dot_general3A_68, %add3A_72 : vector<64x128xf32>
    %max3A_74 = arith.constant 0.000000e+00 : f32
    %max3A_75 = vector.broadcast %max3A_74 : f32 to vector<64x128xf32>
    %max3A_76 = arith.maximumf %add3A_73, %max3A_75 : vector<64x128xf32>
    %get3A_77 = arith.constant 0 : index
    %get3A_78 = arith.constant 0 : index
    %get3A_79 = vector.load %arg9[%get3A_77, %get3A_78] : memref<128x128xf32, #tpu.memory_space<vmem>>, vector<128x128xf32>
    %dot_general3A_80 = arith.constant dense<0.000000e+00> : vector<64x128xf32>
    %dot_general3A_81 = tpu.matmul %max3A_76, %get3A_79, %dot_general3A_80 {dimension_numbers = #tpu.dot_dimension_numbers<[1], [0], [0], [1], [0, 0, 1, 1], [], []>, transpose_lhs_hint = false} : vector<64x128xf32>, vector<128x128xf32>, vector<64x128xf32> -> vector<64x128xf32>
    %get3A_82 = arith.constant 0 : index
    %get3A_83 = vector.load %arg10[%get3A_82] : memref<128xf32, #tpu.memory_space<vmem>>, vector<128xf32>
    %broadcast_in_dim3A_84 = vector.shape_cast %get3A_83 : vector<128xf32> to vector<1x128xf32>
    %add3A_85 = vector.broadcast %broadcast_in_dim3A_84 : vector<1x128xf32> to vector<64x128xf32>
    %add3A_86 = arith.addf %dot_general3A_81, %add3A_85 : vector<64x128xf32>
    %swap3A = arith.constant 0 : index
    %swap3A_87 = arith.constant 0 : index
    %swap3A_88 = vector.load %arg11[%swap3A, %swap3A_87] : memref<64x128xf32, #tpu.memory_space<vmem>>, vector<64x128xf32>
    tpu.vector_store %arg11[%swap3A, %swap3A_87], %add3A_86 {strides = array<i32>} : memref<64x128xf32, #tpu.memory_space<vmem>>, vector<64x128xf32>,
    return
  }
}

</mosaic_0001>

<sc_bundles>
// kernel: kernel.11.cloned.1.call-start
scs
__scs_entry_jumppad:
0x0: {  	(pc) =	sbr.rel $0x88, $3  }
0x1: {  	(tag) =	ssettag $0x0;
	lr =	simm.s32 $0x1  }
0x2: {  	[smem:$0x3F8E] =	sst lr;
	_ =	strace $0xD0000000  }
0x3: {  	_ = 	snop  }
0x4: {  	_ = 	snop  }
0x5: {  	_ = 	snop  }
0x6: {  	_ = 	snop  }
0x7: {  	_ = 	snop  }
__scs_overlays_trampoline_lowered:
0x8: {  	[smem:$0x3F9D] =	sst s0  }
0x9: {  	[smem:$0x3F9E] =	sst s1  }
0xa: {  	[smem:$0x3F9F] =	sst s2  }
0xb: {  	[smem:$0x3FA0] =	sst s3  }
0xc: {  	[smem:$0x3FA1] =	sst s4  }
0xd: {  	[smem:$0x3FA2] =	sst s5  }
0xe: {  	[smem:$0x3FA3] =	sst s6  }
0xf: {  	[smem:$0x3FA4] =	sst s7  }
0x10: {  	[smem:$0x3FA5] =	sst s8  }
0x11: {  	[smem:$0x3FA6] =	sst s9;
	s0 =	simm.s32 @!p0 $0x0  }
0x12: {  	s1 =	sld [smem:$0x3F8C];
	s0 =	simm.s32 @p0 $0x1  }
0x13: {  	[smem:$0x3FA7] =	sst s0;
	s0 =	simm.s32 @!p1 $0x0  }
0x14: {  	s2 =	sld [smem:$0x3F8B];
	s0 =	simm.s32 @p1 $0x1  }
0x15: {  	[smem:$0x3FA8] =	sst s0;
	s0 =	simm.s32 @!p2 $0x0  }
0x16: {  	s3 =	sld [smem:$0x3FDB];
	s0 =	simm.s32 @p2 $0x1  }
0x17: {  	s4 =	simm.s32 $0x1BF5;
	[smem:$0x3FAA] =	sst s0  }
0x18: {  	s0 =	sld [smem:$0x3F8D];
	_ =	swait.ge [sflag:s4], $0x0  }
0x19: {  	s7 =	sld [smem:$0x3F8E]  }
0x1a: {  	s8 =	sadd.s32 $0xFFFFE003, lr  }
0x1b: {  	s9 =	sadd.s32 $0xFFFFFEF7, lr;
	s5 =	simm.s32 $0xFFFFFFFF;
	p2 =	slt.u32 s8, $0xFFFFF086  }
0x1c: {  	p1 =	slt.u32 s9, $0xF7A;
	s5 =	simm.s32 @!p2 $0x0  }
0x1d: {  	s5 =	simm.s32 @p1 $0x1;
	p0 =	seq.s32 s7, s2  }
0x1e: {  	s7 =	smul.u32 @!p0 $0xF7A, s2;
	p2 =	seq.s32 @!p0 s5, $0x0  }
0x1f: {  	s9 =	smul.u32 $0xF7A, s1;
	s8 =	simm.s32 @!p0 $0x1BF5;
	p2 =	por !p2, p0  }
0x20: {  	[sflag:s8] =	ssyncset.s32 @!p0 $0xFFFFF086;
	s6 =	sadd.s32 @!p0 s3, s7;
	s7 =	simm.s32 @!p0 $0x108  }
0x21: {  	s3 =	sadd.s32 s3, s9;
	s6 =	sadd.s32 @!p0 $0x88, s6;
	s7 =	simm.s32 @p2 $0x1082  }
0x22: {  	[simem:s7], [sflag:s8] =	dma.local @!p0 [hbm:s6], $0xF7A  }
0x23: {  	s9 =	sor.u32 $0xD0000000, s2;
	s6 =	simm.s32 $0x108;
	_ =	swait.ge @!p0 [sflag:s8], $0x0  }
0x24: {  	s3 =	sadd.s32 $0x88, s3;
	s6 =	simm.s32 @!p1 $0x1082;
	[sflag:s4] =	ssyncset.s32 $0xFFFFF086  }
0x25: {  	[simem:s6], [sflag:s4] =	dma.local [hbm:s3], $0xF7A  }
0x26: {  	[smem:$0x3F8E] =	sst s1;
	(tag) =	ssettag s2;
	_ =	strace s9  }
0x27: {  	s1 =	sld [smem:$0x3F9E]  }
0x28: {  	s2 =	sld [smem:$0x3F9F]  }
0x29: {  	s4 =	sld [smem:$0x3FA1]  }
0x2a: {  	p0 =	seq.s32 s5, $0x0;
	s5 =	sld [smem:$0x3FA2]  }
0x2b: {  	s6 =	sld [smem:$0x3FA3]  }
0x2c: {  	s7 =	sld [smem:$0x3FA4]  }
0x2d: {  	s3 =	simm.s32 $0x108;
	s8 =	sld [smem:$0x3FA5]  }
0x2e: {  	s3 =	simm.s32 @!p0 $0x1082;
	s9 =	sld [smem:$0x3FA6]  }
0x2f: {  	lr =	sadd.s32 s0, s3;
	s0 =	sld [smem:$0x3F9D]  }
0x30: {  	s3 =	sld [smem:$0x3FA0]  }
0x31: {  	[smem:$0x3FA9] =	sst s10  }
0x32: {  	s10 =	sld [smem:$0x3FA7];
	_ =	sdelay $0x3  }
0x33: {  	p0 =	seq.s32 s10, $0x1;
	s10 =	sld [smem:$0x3FA9];
	_ =	sdelay $0x3  }
0x34: {  	[smem:$0x3FA9] =	sst s10  }
0x35: {  	s10 =	sld [smem:$0x3FA8];
	_ =	sdelay $0x3  }
0x36: {  	p1 =	seq.s32 s10, $0x1;
	s10 =	sld [smem:$0x3FA9];
	_ =	sdelay $0x3  }
0x37: {  	[smem:$0x3FA9] =	sst s10  }
0x38: {  	s10 =	sld [smem:$0x3FAA]  }
0x39: {  	_ = 	snop;
	(pc) =	sbr.ind lr, $3  }
0x3a: {  	_ = 	snop  }
0x3b: {  	_ = 	snop  }
0x3c: {  	p2 =	seq.s32 s10, $0x1;
	s10 =	sld [smem:$0x3FA9]  }
0x3d: {  	_ =	shalt  }
0x3e: {  	_ =	shalt  }
0x3f: {  	_ =	shalt  }
0x40: {  	_ =	shalt  }
0x41: {  	_ =	shalt  }
0x42: {  	_ =	shalt  }
0x43: {  	_ =	shalt  }
0x44: {  	_ =	shalt  }
0x45: {  	_ =	shalt  }
0x46: {  	_ =	shalt  }
0x47: {  	_ =	shalt  }
0x48: {  	_ =	shalt  }
0x49: {  	_ =	shalt  }
0x4a: {  	_ =	shalt  }
0x4b: {  	_ =	shalt  }
0x4c: {  	_ =	shalt  }
0x4d: {  	_ =	shalt  }
0x4e: {  	_ =	shalt  }
0x4f: {  	_ =	shalt  }
0x50: {  	_ =	shalt  }
0x51: {  	_ =	shalt  }
0x52: {  	_ =	shalt  }
0x53: {  	_ =	shalt  }
0x54: {  	_ =	shalt  }
0x55: {  	_ =	shalt  }
0x56: {  	_ =	shalt  }
0x57: {  	_ =	shalt  }
0x58: {  	_ =	shalt  }
0x59: {  	_ =	shalt  }
0x5a: {  	_ =	shalt  }
0x5b: {  	_ =	shalt  }
0x5c: {  	_ =	shalt  }
0x5d: {  	_ =	shalt  }
0x5e: {  	_ =	shalt  }
0x5f: {  	_ =	shalt  }
0x60: {  	_ =	shalt  }
0x61: {  	_ =	shalt  }
0x62: {  	_ =	shalt  }
0x63: {  	_ =	shalt  }
0x64: {  	_ =	shalt  }
0x65: {  	_ =	shalt  }
0x66: {  	_ =	shalt  }
0x67: {  	_ =	shalt  }
0x68: {  	_ =	shalt  }
0x69: {  	_ =	shalt  }
0x6a: {  	_ =	shalt  }
0x6b: {  	_ =	shalt  }
0x6c: {  	_ =	shalt  }
0x6d: {  	_ =	shalt  }
0x6e: {  	_ =	shalt  }
0x6f: {  	_ =	shalt  }
0x70: {  	_ =	shalt  }
0x71: {  	_ =	shalt  }
0x72: {  	_ =	shalt  }
0x73: {  	_ =	shalt  }
0x74: {  	_ =	shalt  }
0x75: {  	_ =	shalt  }
0x76: {  	_ =	shalt  }
0x77: {  	_ =	shalt  }
0x78: {  	_ =	shalt  }
0x79: {  	_ =	shalt  }
0x7a: {  	_ =	shalt  }
0x7b: {  	_ =	shalt  }
0x7c: {  	_ =	shalt  }
0x7d: {  	_ =	shalt  }
0x7e: {  	_ =	shalt  }
0x7f: {  	_ =	shalt  }
0x80: {  	_ =	shalt  }
0x81: {  	_ =	shalt  }
0x82: {  	_ =	shalt  }
0x83: {  	_ =	shalt  }
0x84: {  	_ =	shalt  }
0x85: {  	_ =	shalt  }
0x86: {  	_ =	shalt  }
0x87: {  	_ =	shalt  }
.Lfunc_end0:
.L_simem_size_0:
called_computation_lowered:
.L_overlay_start_0:
0x88: {  	s2 =	sld [smem:$0x3FD9]  }
0x89: {  	s3 =	sld [smem:$0x3FFE];
	_ =	sdelay $0x1  }
0x8a: {  	s1 =	srdreg.scid  }
0x8b: {  	s0 =	sand.u32 $0x1, s1  }
0x8c: {  	s16 =	sshll.u32 s0, $0xA;
	s2 =	sadd.s32 s3, s2  }
0x8d: {  	s2 =	sadd.s32 s2, s16  }
0x8e: {  	[smem:$0x3FB5] =	sst s2  }
0x8f: {  	_ = 	snop  }
0x90: {  	(tm) =	ssettm $0x1  }
0x91: {  	s17 =	sld [smem:$0x3FFB];
	_ =	sdelay $0x3  }
0x92: {  	_ =	strace s17  }
0x93: {  	s2 =	sld [smem:$0x3FFC];
	_ =	sdelay $0x3  }
0x94: {  	_ =	strace s2  }
0x95: {  	s2 =	sld [smem:$0x3FFD];
	_ =	sdelay $0x3  }
0x96: {  	_ =	strace s2  }
0x97: {  	_ =	strace $0x8FFFFFFF  }
0x98: {  	s18 =	sld [smem:$0x3FDB];
	_ =	sdelay $0x1  }
0x99: {  	s19 =	simm.s32 $_scs_section_size  }
0x9a: {  	s4 =	simm.s32 $_size__tile_overlayer_lowered;
	s5 =	simm.s32 $_tile_overlayer_lowered  }
0x9b: {  	s22 =	simm.s32 $0x1BFF;
	s21 =	sshll.u32 s5, $0x1;
	s2 =	sadd.s32 s19, s18  }
0x9c: {  	s6 =	simm.s32 $0x0;
	s20 =	sshll.u32 s4, $0x1;
	s4 =	sadd.s32 s21, s2  }
0x9d: {  	[timem:s6], [sflag:s22] =	dma.local [hbm:s4], s20  }
0x9e: {  	_ =	swait.ge [sflag:s22], s20  }
0x9f: {  	s3 =	ssub.s32 $0x0, s20;
	[sflag:s22] =	ssyncset.done $0x0  }
0xa0: {  	[sflag:s22] =	ssyncadd.s32 s3;
	_ =	sdelay $0x1  }
0xa1: {  	s23 =	simm.s32 $0x1B8B  }
0xa2: {  	_ =	swait.ge [sflag:s23], $0x1  }
0xa3: {  	[sflag:s23] =	ssyncset.done $0x0  }
0xa4: {  	s25 =	simm.s32 $0x1B8E;
	s24 =	sld [smem:$0x3FFE];
	[sflag:s23] =	ssyncadd.s32 $0xFFFFFFFF  }
0xa5: {  	s26 =	simm.s32 $execute0_lowered;
	[smem:$0x3FD2] =	sst s25  }
0xa6: {  	s4 =	sshll.u32 s26, $0x1;
	_ =	strace $0x80000046;
	[dreg:$0x1] =	wrdreg $0xFFFFFFFF  }
0xa7: {  	s28 =	simm.s32 $_size_execute0_lowered;
	s2 =	sadd.s32 s2, s4;
	[dreg:$0x0] =	wrdreg $0x0  }
0xa8: {  	s4 =	sshll.u32 s28, $0x1;
	[dreg:$0x2] =	wrdreg s2  }
0xa9: {  	[dreg:$0x3] =	wrdreg s4  }
0xaa: {  	[dreg:$0x4] =	wrdreg $0xC0  }
0xab: {  	_ =	task [dreg:s6], $0x5FFFF  }
0xac: {  	[dreg:$0x1] =	wrdreg $0xFFFFFFFF  }
0xad: {  	[dreg:$0x0] =	wrdreg $0x60  }
0xae: {  	[dreg:$0x2] =	wrdreg s24  }
0xaf: {  	[dreg:$0x3] =	wrdreg $0x9  }
0xb0: {  	_ =	task.clear_ibuf [dreg:s6], $0x4FFFF;
	_ =	strace $0x90000046  }
0xb1: {  	s29 =	simm.s32 $0x9;
	_ =	strace $0x80000048  }
0xb2: {  	_ =	swait.ge [sflag:s29], $0x1  }
0xb3: {  	[sflag:s29] =	ssyncadd.s32 $0xFFFFFFFF  }
0xb4: {  	_ =	strace $0x90000048  }
0xb5: {  	_ =	sfence  }
0xb6: {  	s30 =	sld [smem:$0x0];
	_ =	sdelay $0x2  }
0xb7: {  	s31 =	sshll.u32 s1, $0xD;
	s1 =	sshrl.u32 s1, $0x2  }
0xb8: {  	s3 =	sand.u32 $0x4000, s31;
	s1 =	sadd.s32 s1, s30  }
0xb9: {  	s0 =	sor.u32 s3, s0;
	s1 =	sshll.u32 s1, $0x11  }
0xba: {  	s0 =	sor.u32 s1, s0  }
0xbb: {  	s0 =	sadd.s32 $0x8F2B, s0  }
0xbc: {  	[sflag:s0] =	ssyncadd.remote.s32 $0x1  }
0xbd: {  	_ =	sfence.sel $0xFFFF  }
0xbe: {  	[dreg:$0x0] =	wrdreg $0xFFFFFFFF;
	(pc) =	sbr.abs _section_cstart, $3  }
0xbf: {  	[dreg:$0x1] =	wrdreg $0xFFFFFFFF  }
0xc0: {  	_ =	task.clear_ibuf [dreg:s6], $0x2FFFF;
	_ =	strace $0x9FFFFFFF  }
0xc1: {  	(tm) =	ssettm $0x7FFFFFFF  }
tec
execute0_lowered:
.L_overlay_start_1:
0x0: {  	(tag) =	ssettag $0x1  }
0x1: {  	s1 =	srdreg.scid;
	s0 =	stileid.u32  }
0x2: {  	s3 =	rddreg [dreg:$0x0];
	s8 =	simm.s32 $0x80;
	s9 =	simm.s32 $0x400  }
0x3: {  	s4 =	sand.u32 $0x1, s1;
	s2 =	sshll.u32 s0, $0x1;
	s1 =	rddreg [dreg:$0x1]  }
0x4: {  	s6 =	sshrl.u32 s0, $0x2;
	s5 =	sor.u32 s4, s2;
	s2 =	simm.s32 $0x0  }
0x5: {  	s6 =	smul.u32 $0x14000, s6;
	s4 =	ssub.s32 $0x2, s4;
	s7 =	sshll.u32 s5, $0x7  }
0x6: {  	[smem:$0x7FF] =	sst s2;
	s5 =	smul.u32 $0x500, s5;
	s7 =	sand.u32 $0x380, s7  }
0x7: {  	s31 =	sshrl.u32 s4, $0x1;
	_ =	strace $0x80000047;
	s6 =	sor.u32 s6, s7  }
0x8: {  	s5 =	sadd.s32 s5, s3;
	s7 =	ssub.s32 s4, s31;
	s6 =	sshrl.u32 s6, $0x3  }
0x9: {  	s6 =	sadd.s32 s6, s3;
	s3 =	sadd.s32 $0x4400, s5;
	s5 =	smax.u32 s7, $0x1  }
0xa: {  	v0 =	vimm.f32 $0.0e+00;
	v1 =	vimm.f32 $1.000000000e+00;
	s7 =	simm.s32 $0x2800;
	s4 =	sadd.s32 $0xE400, s6;
	s6 =	simm.s32 $0x1  }
.LBB2_1:
0xb: {  	s10 =	simm.s32 $0x40;
	s11 =	simm.s32 $0x0  }
.LBB2_2:
0xc: {  	p0 =	sne.s32 s10, $0x9FC0;
	[tilespmem:s11+$0x2800] =	vst v0;
	s11 =	smov.u32 s10;
	s10 =	sadd.s32 $0x40, s10  }
.Ltmp0:
0xd: {  	(pc) =	sbr.rel @p0 .LBB2_2-.Ltmp0, $2  }
0xe: {  	_ =	sdelay $0x2  }
0xf: {  	s11 =	sshra.s32 s11, $0x2  }
0x10: {  	[tilespmem:s11+$0x2800] =	vst v0;
	s10 =	simm.s32 $0x0  }
0x11: {  	[tilespmem:s10], [sflag:$0x1] =	stream.linear.gather [hbm4b:s3+s10], $0x2780, $0x38;
	[tilespmem:$0x5000] =	vst v63  }
0x12: {  	_ =	swait.ge [sflag:s6], $0x2780  }
0x13: {  	[sflag:s6] =	ssyncset.done $0x0  }
0x14: {  	[sflag:s6] =	ssyncadd.s32 $0xFFFFD880  }
.LBB2_4:
0x15: {  	s11 =	sshra.s32 s10, $0x2  }
0x16: {  	v2 =	vld [tilespmem:s11+$0x0];
	_ =	sdelay $0x7  }
0x17: {  	[tilespmem:v2+s7+$0x0] =	vst.idx.add.f32.msk $0xffff, v1  }
0x18: {  	v2 =	vld [tilespmem:s11+$0x10];
	_ =	sdelay $0x7  }
0x19: {  	[tilespmem:v2+s7+$0x0] =	vst.idx.add.f32.msk $0xffff, v1  }
0x1a: {  	v2 =	vld [tilespmem:s11+$0x20];
	_ =	sdelay $0x7  }
0x1b: {  	[tilespmem:v2+s7+$0x0] =	vst.idx.add.f32.msk $0xffff, v1  }
0x1c: {  	v2 =	vld [tilespmem:s11+$0x30];
	_ =	sdelay $0x7  }
0x1d: {  	[tilespmem:v2+s7+$0x0] =	vst.idx.add.f32.msk $0xffff, v1  }
0x1e: {  	v2 =	vld [tilespmem:s11+$0x40];
	_ =	sdelay $0x7  }
0x1f: {  	[tilespmem:v2+s7+$0x0] =	vst.idx.add.f32.msk $0xffff, v1  }
0x20: {  	v2 =	vld [tilespmem:s11+$0x50];
	_ =	sdelay $0x7  }
0x21: {  	[tilespmem:v2+s7+$0x0] =	vst.idx.add.f32.msk $0xffff, v1  }
0x22: {  	v2 =	vld [tilespmem:s11+$0x60];
	_ =	sdelay $0x7  }
0x23: {  	[tilespmem:v2+s7+$0x0] =	vst.idx.add.f32.msk $0xffff, v1  }
0x24: {  	v2 =	vld [tilespmem:s11+$0x70];
	_ =	sdelay $0x2  }
0x25: {  	p0 =	sne.s32 s10, $0x9C00  }
.Ltmp1:
0x26: {  	_ = 	snop;
	(pc) =	sbr.rel @p0 .LBB2_4-.Ltmp1, $2  }
0x27: {  	_ =	sdelay $0x2  }
0x28: {  	s10 =	sadd.s32 $0x200, s10;
	[tilespmem:v2+s7+$0x0] =	vst.idx.add.f32.msk $0xffff, v1  }
0x29: {  	s2 =	sadd.s32 $0x1, s2  }
0x2a: {  	p0 =	sne.s32 s2, s5  }
.Ltmp2:
0x2b: {  	_ = 	snop;
	(pc) =	sbr.rel @p0 .LBB2_1-.Ltmp2, $4  }
0x2c: {  	[hbm4b:s4+s8] =	stream.strided.scatter [tilespmem:s7], [sflag:$0x1], $0x2800, s9, s8, $0x38;
	[tilespmem:$0x5000] =	vst v63  }
0x2d: {  	_ =	swait.ge [sflag:s6], $0x2800  }
0x2e: {  	[sflag:s6] =	ssyncset.done $0x0  }
0x2f: {  	[sflag:s6] =	ssyncadd.s32 $0xFFFFD800  }
0x30: {  	_ =	sfence.sel $0x180000  }
0x31: {  	[bflag:$0x0] =	sbarrier.arrive $0xFFFF  }
0x32: {  	p0 =	sne.s32 s0, $0x0;
	_ =	strace $0x90000047  }
0x33: {  	s0 =	sadd.s32 @!p0 $0x100000, s1;
	[bflag:$0x2] =	sbarrier.arrive $0xFFFF  }
0x34: {  	[sflag:s0] =	ssyncadd.tile.s32 @!p0 $0x1;
	_ =	shalt  }
.Lfunc_end2:
_tile_overlayer_lowered:
.L_overlay_start_2:
0x35: {  	(tag) =	ssettag $0x2  }
0x36: {  	s0 =	rddreg [dreg:$0x0];
	s2 =	stileid.u32  }
0x37: {  	s1 =	rddreg [dreg:$0x1];
	p0 =	sne.s32 s2, $0x0  }
0x38: {  	s3 =	rddreg [dreg:$0x2];
	[bflag:$0x3] =	sbarrier.arrive $0xFFFF;
	s2 =	simm.s32 @!p0 $0x1C01  }
0x39: {  	[timem:s3], [sflag:s2] =	dma.local @!p0 [hbm:s0], s1  }
0x3a: {  	s0 =	simm.s32 @!p0 $0x1  }
0x3b: {  	_ =	swait.ge @!p0 [sflag:s0], s1  }
0x3c: {  	s1 =	ssub.s32 @!p0 $0x0, s1;
	[sflag:s0] =	ssyncset.done @!p0 $0x0  }
0x3d: {  	[sflag:s0] =	ssyncadd.s32 @!p0 s1  }
0x3e: {  	[bflag:$0x3] =	sbarrier.arrive $0xFFFF  }
0x3f: {  	_ =	shalt  }

// kernel: kernel.14.cloned.1.call-start
scs
__scs_entry_jumppad:
0x0: {  	(pc) =	sbr.rel $0x88, $3  }
0x1: {  	(tag) =	ssettag $0x0;
	lr =	simm.s32 $0x1  }
0x2: {  	[smem:$0x3F8E] =	sst lr;
	_ =	strace $0xD0000000  }
0x3: {  	_ = 	snop  }
0x4: {  	_ = 	snop  }
0x5: {  	_ = 	snop  }
0x6: {  	_ = 	snop  }
0x7: {  	_ = 	snop  }
__scs_overlays_trampoline_lowered:
0x8: {  	[smem:$0x3F9D] =	sst s0  }
0x9: {  	[smem:$0x3F9E] =	sst s1  }
0xa: {  	[smem:$0x3F9F] =	sst s2  }
0xb: {  	[smem:$0x3FA0] =	sst s3  }
0xc: {  	[smem:$0x3FA1] =	sst s4  }
0xd: {  	[smem:$0x3FA2] =	sst s5  }
0xe: {  	[smem:$0x3FA3] =	sst s6  }
0xf: {  	[smem:$0x3FA4] =	sst s7  }
0x10: {  	[smem:$0x3FA5] =	sst s8  }
0x11: {  	[smem:$0x3FA6] =	sst s9;
	s0 =	simm.s32 @!p0 $0x0  }
0x12: {  	s1 =	sld [smem:$0x3F8C];
	s0 =	simm.s32 @p0 $0x1  }
0x13: {  	[smem:$0x3FA7] =	sst s0;
	s0 =	simm.s32 @!p1 $0x0  }
0x14: {  	s2 =	sld [smem:$0x3F8B];
	s0 =	simm.s32 @p1 $0x1  }
0x15: {  	[smem:$0x3FA8] =	sst s0;
	s0 =	simm.s32 @!p2 $0x0  }
0x16: {  	s3 =	sld [smem:$0x3FDB];
	s0 =	simm.s32 @p2 $0x1  }
0x17: {  	s4 =	simm.s32 $0x1BF5;
	[smem:$0x3FAA] =	sst s0  }
0x18: {  	s0 =	sld [smem:$0x3F8D];
	_ =	swait.ge [sflag:s4], $0x0  }
0x19: {  	s7 =	sld [smem:$0x3F8E]  }
0x1a: {  	s8 =	sadd.s32 $0xFFFFE003, lr  }
0x1b: {  	s9 =	sadd.s32 $0xFFFFFEF7, lr;
	s5 =	simm.s32 $0xFFFFFFFF;
	p2 =	slt.u32 s8, $0xFFFFF086  }
0x1c: {  	p1 =	slt.u32 s9, $0xF7A;
	s5 =	simm.s32 @!p2 $0x0  }
0x1d: {  	s5 =	simm.s32 @p1 $0x1;
	p0 =	seq.s32 s7, s2  }
0x1e: {  	s7 =	smul.u32 @!p0 $0xF7A, s2;
	p2 =	seq.s32 @!p0 s5, $0x0  }
0x1f: {  	s9 =	smul.u32 $0xF7A, s1;
	s8 =	simm.s32 @!p0 $0x1BF5;
	p2 =	por !p2, p0  }
0x20: {  	[sflag:s8] =	ssyncset.s32 @!p0 $0xFFFFF086;
	s6 =	sadd.s32 @!p0 s3, s7;
	s7 =	simm.s32 @!p0 $0x108  }
0x21: {  	s3 =	sadd.s32 s3, s9;
	s6 =	sadd.s32 @!p0 $0x88, s6;
	s7 =	simm.s32 @p2 $0x1082  }
0x22: {  	[simem:s7], [sflag:s8] =	dma.local @!p0 [hbm:s6], $0xF7A  }
0x23: {  	s9 =	sor.u32 $0xD0000000, s2;
	s6 =	simm.s32 $0x108;
	_ =	swait.ge @!p0 [sflag:s8], $0x0  }
0x24: {  	s3 =	sadd.s32 $0x88, s3;
	s6 =	simm.s32 @!p1 $0x1082;
	[sflag:s4] =	ssyncset.s32 $0xFFFFF086  }
0x25: {  	[simem:s6], [sflag:s4] =	dma.local [hbm:s3], $0xF7A  }
0x26: {  	[smem:$0x3F8E] =	sst s1;
	(tag) =	ssettag s2;
	_ =	strace s9  }
0x27: {  	s1 =	sld [smem:$0x3F9E]  }
0x28: {  	s2 =	sld [smem:$0x3F9F]  }
0x29: {  	s4 =	sld [smem:$0x3FA1]  }
0x2a: {  	p0 =	seq.s32 s5, $0x0;
	s5 =	sld [smem:$0x3FA2]  }
0x2b: {  	s6 =	sld [smem:$0x3FA3]  }
0x2c: {  	s7 =	sld [smem:$0x3FA4]  }
0x2d: {  	s3 =	simm.s32 $0x108;
	s8 =	sld [smem:$0x3FA5]  }
0x2e: {  	s3 =	simm.s32 @!p0 $0x1082;
	s9 =	sld [smem:$0x3FA6]  }
0x2f: {  	lr =	sadd.s32 s0, s3;
	s0 =	sld [smem:$0x3F9D]  }
0x30: {  	s3 =	sld [smem:$0x3FA0]  }
0x31: {  	[smem:$0x3FA9] =	sst s10  }
0x32: {  	s10 =	sld [smem:$0x3FA7];
	_ =	sdelay $0x3  }
0x33: {  	p0 =	seq.s32 s10, $0x1;
	s10 =	sld [smem:$0x3FA9];
	_ =	sdelay $0x3  }
0x34: {  	[smem:$0x3FA9] =	sst s10  }
0x35: {  	s10 =	sld [smem:$0x3FA8];
	_ =	sdelay $0x3  }
0x36: {  	p1 =	seq.s32 s10, $0x1;
	s10 =	sld [smem:$0x3FA9];
	_ =	sdelay $0x3  }
0x37: {  	[smem:$0x3FA9] =	sst s10  }
0x38: {  	s10 =	sld [smem:$0x3FAA]  }
0x39: {  	_ = 	snop;
	(pc) =	sbr.ind lr, $3  }
0x3a: {  	_ = 	snop  }
0x3b: {  	_ = 	snop  }
0x3c: {  	p2 =	seq.s32 s10, $0x1;
	s10 =	sld [smem:$0x3FA9]  }
0x3d: {  	_ =	shalt  }
0x3e: {  	_ =	shalt  }
0x3f: {  	_ =	shalt  }
0x40: {  	_ =	shalt  }
0x41: {  	_ =	shalt  }
0x42: {  	_ =	shalt  }
0x43: {  	_ =	shalt  }
0x44: {  	_ =	shalt  }
0x45: {  	_ =	shalt  }
0x46: {  	_ =	shalt  }
0x47: {  	_ =	shalt  }
0x48: {  	_ =	shalt  }
0x49: {  	_ =	shalt  }
0x4a: {  	_ =	shalt  }
0x4b: {  	_ =	shalt  }
0x4c: {  	_ =	shalt  }
0x4d: {  	_ =	shalt  }
0x4e: {  	_ =	shalt  }
0x4f: {  	_ =	shalt  }
0x50: {  	_ =	shalt  }
0x51: {  	_ =	shalt  }
0x52: {  	_ =	shalt  }
0x53: {  	_ =	shalt  }
0x54: {  	_ =	shalt  }
0x55: {  	_ =	shalt  }
0x56: {  	_ =	shalt  }
0x57: {  	_ =	shalt  }
0x58: {  	_ =	shalt  }
0x59: {  	_ =	shalt  }
0x5a: {  	_ =	shalt  }
0x5b: {  	_ =	shalt  }
0x5c: {  	_ =	shalt  }
0x5d: {  	_ =	shalt  }
0x5e: {  	_ =	shalt  }
0x5f: {  	_ =	shalt  }
0x60: {  	_ =	shalt  }
0x61: {  	_ =	shalt  }
0x62: {  	_ =	shalt  }
0x63: {  	_ =	shalt  }
0x64: {  	_ =	shalt  }
0x65: {  	_ =	shalt  }
0x66: {  	_ =	shalt  }
0x67: {  	_ =	shalt  }
0x68: {  	_ =	shalt  }
0x69: {  	_ =	shalt  }
0x6a: {  	_ =	shalt  }
0x6b: {  	_ =	shalt  }
0x6c: {  	_ =	shalt  }
0x6d: {  	_ =	shalt  }
0x6e: {  	_ =	shalt  }
0x6f: {  	_ =	shalt  }
0x70: {  	_ =	shalt  }
0x71: {  	_ =	shalt  }
0x72: {  	_ =	shalt  }
0x73: {  	_ =	shalt  }
0x74: {  	_ =	shalt  }
0x75: {  	_ =	shalt  }
0x76: {  	_ =	shalt  }
0x77: {  	_ =	shalt  }
0x78: {  	_ =	shalt  }
0x79: {  	_ =	shalt  }
0x7a: {  	_ =	shalt  }
0x7b: {  	_ =	shalt  }
0x7c: {  	_ =	shalt  }
0x7d: {  	_ =	shalt  }
0x7e: {  	_ =	shalt  }
0x7f: {  	_ =	shalt  }
0x80: {  	_ =	shalt  }
0x81: {  	_ =	shalt  }
0x82: {  	_ =	shalt  }
0x83: {  	_ =	shalt  }
0x84: {  	_ =	shalt  }
0x85: {  	_ =	shalt  }
0x86: {  	_ =	shalt  }
0x87: {  	_ =	shalt  }
.Lfunc_end0:
.L_simem_size_0:
called_computation.1_lowered:
.L_overlay_start_0:
0x88: {  	s2 =	sld [smem:$0x3FD9]  }
0x89: {  	s3 =	sld [smem:$0x3FFE];
	_ =	sdelay $0x1  }
0x8a: {  	s1 =	srdreg.scid  }
0x8b: {  	s0 =	sand.u32 $0x1, s1  }
0x8c: {  	s16 =	sshll.u32 s0, $0xA;
	s2 =	sadd.s32 s3, s2  }
0x8d: {  	s2 =	sadd.s32 s2, s16  }
0x8e: {  	[smem:$0x3FB5] =	sst s2  }
0x8f: {  	_ = 	snop  }
0x90: {  	(tm) =	ssettm $0x1  }
0x91: {  	s17 =	sld [smem:$0x3FFB];
	_ =	sdelay $0x3  }
0x92: {  	_ =	strace s17  }
0x93: {  	s2 =	sld [smem:$0x3FFC];
	_ =	sdelay $0x3  }
0x94: {  	_ =	strace s2  }
0x95: {  	s2 =	sld [smem:$0x3FFD];
	_ =	sdelay $0x3  }
0x96: {  	_ =	strace s2  }
0x97: {  	_ =	strace $0x8FFFFFFF  }
0x98: {  	s18 =	sld [smem:$0x3FDB];
	_ =	sdelay $0x1  }
0x99: {  	s19 =	simm.s32 $_scs_section_size  }
0x9a: {  	s4 =	simm.s32 $_size__tile_overlayer_lowered;
	s5 =	simm.s32 $_tile_overlayer_lowered  }
0x9b: {  	s22 =	simm.s32 $0x1BFF;
	s21 =	sshll.u32 s5, $0x1;
	s2 =	sadd.s32 s19, s18  }
0x9c: {  	s6 =	simm.s32 $0x0;
	s20 =	sshll.u32 s4, $0x1;
	s4 =	sadd.s32 s21, s2  }
0x9d: {  	[timem:s6], [sflag:s22] =	dma.local [hbm:s4], s20  }
0x9e: {  	_ =	swait.ge [sflag:s22], s20  }
0x9f: {  	s3 =	ssub.s32 $0x0, s20;
	[sflag:s22] =	ssyncset.done $0x0  }
0xa0: {  	[sflag:s22] =	ssyncadd.s32 s3;
	_ =	sdelay $0x1  }
0xa1: {  	s23 =	simm.s32 $0x1B8B  }
0xa2: {  	_ =	swait.ge [sflag:s23], $0x1  }
0xa3: {  	[sflag:s23] =	ssyncset.done $0x0  }
0xa4: {  	s25 =	simm.s32 $0x1B8E;
	s24 =	sld [smem:$0x3FFE];
	[sflag:s23] =	ssyncadd.s32 $0xFFFFFFFF  }
0xa5: {  	s26 =	simm.s32 $execute0_lowered;
	[smem:$0x3FD2] =	sst s25  }
0xa6: {  	s4 =	sshll.u32 s26, $0x1;
	_ =	strace $0x80000049;
	[dreg:$0x1] =	wrdreg $0xFFFFFFFF  }
0xa7: {  	s28 =	simm.s32 $_size_execute0_lowered;
	s2 =	sadd.s32 s2, s4;
	[dreg:$0x0] =	wrdreg $0x0  }
0xa8: {  	s4 =	sshll.u32 s28, $0x1;
	[dreg:$0x2] =	wrdreg s2  }
0xa9: {  	[dreg:$0x3] =	wrdreg s4  }
0xaa: {  	[dreg:$0x4] =	wrdreg $0xC0  }
0xab: {  	_ =	task [dreg:s6], $0x5FFFF  }
0xac: {  	[dreg:$0x1] =	wrdreg $0xFFFFFFFF  }
0xad: {  	[dreg:$0x0] =	wrdreg $0x60  }
0xae: {  	[dreg:$0x2] =	wrdreg s24  }
0xaf: {  	[dreg:$0x3] =	wrdreg $0x90000  }
0xb0: {  	[dreg:$0x4] =	wrdreg $0x9  }
0xb1: {  	_ =	task.clear_ibuf [dreg:s6], $0x5FFFF;
	_ =	strace $0x90000049  }
0xb2: {  	s29 =	simm.s32 $0x9;
	_ =	strace $0x8000004B  }
0xb3: {  	_ =	swait.ge [sflag:s29], $0x1  }
0xb4: {  	[sflag:s29] =	ssyncadd.s32 $0xFFFFFFFF  }
0xb5: {  	_ =	strace $0x9000004B  }
0xb6: {  	_ =	sfence  }
0xb7: {  	s30 =	sld [smem:$0x0];
	_ =	sdelay $0x2  }
0xb8: {  	s31 =	sshll.u32 s1, $0xD;
	s1 =	sshrl.u32 s1, $0x2  }
0xb9: {  	s3 =	sand.u32 $0x4000, s31;
	s1 =	sadd.s32 s1, s30  }
0xba: {  	s0 =	sor.u32 s3, s0;
	s1 =	sshll.u32 s1, $0x11  }
0xbb: {  	s0 =	sor.u32 s1, s0  }
0xbc: {  	s0 =	sadd.s32 $0x8F2B, s0  }
0xbd: {  	[sflag:s0] =	ssyncadd.remote.s32 $0x1  }
0xbe: {  	_ =	sfence.sel $0xFFFF  }
0xbf: {  	[dreg:$0x0] =	wrdreg $0xFFFFFFFF;
	(pc) =	sbr.abs _section_cstart, $3  }
0xc0: {  	[dreg:$0x1] =	wrdreg $0xFFFFFFFF  }
0xc1: {  	_ =	task.clear_ibuf [dreg:s6], $0x2FFFF;
	_ =	strace $0x9FFFFFFF  }
0xc2: {  	(tm) =	ssettm $0x7FFFFFFF  }
0xc3: {  	_ =	shalt  }
tec
execute0_lowered:
.L_overlay_start_1:
0x0: {  	(tag) =	ssettag $0x1  }
0x1: {  	s1 =	srdreg.scid;
	s6 =	rddreg [dreg:$0x0]  }
0x2: {  	s0 =	stileid.u32;
	s2 =	rddreg [dreg:$0x1];
	s3 =	simm.s32 $0x0  }
0x3: {  	s14 =	simm.s32 $0x5000;
	s15 =	simm.s32 $0x2;
	s16 =	simm.s32 $0x2800  }
0x4: {  	s17 =	simm.s32 $0x80;
	s18 =	simm.s32 $0x1;
	s5 =	sand.u32 $0x1, s1  }
0x5: {  	s26 =	sshll.u32 s0, $0x1;
	s9 =	smul.u32 $0x14000, s0;
	[smem:$0x7FF] =	sst s3  }
0x6: {  	s10 =	smul.u32 $0x50000, s0;
	s4 =	sadd.s32 $0x22400, s6;
	s19 =	sshll.u32 s0, $0x6  }
0x7: {  	s1 =	sor.u32 s5, s26;
	s8 =	smul.u32 $0x140000, s5;
	s29 =	ssub.s32 $0x2, s5  }
0x8: {  	s19 =	sor.u32 $0x1C02, s19;
	s7 =	smul.u32 $0x500, s1;
	s1 =	rddreg [dreg:$0x2]  }
0x9: {  	_ =	strace $0x8000004A;
	s30 =	sshrl.u32 s10, $0x2;
	s31 =	sshrl.u32 s29, $0x1  }
0xa: {  	s28 =	sadd.s32 s9, s8;
	s5 =	sadd.s32 s30, s2;
	s13 =	ssub.s32 s29, s31  }
0xb: {  	s11 =	sadd.s32 s7, s6;
	s7 =	sshrl.u32 s28, $0x3;
	s8 =	sadd.s32 $0xC000, s5  }
0xc: {  	s9 =	sadd.s32 $0x10000, s5;
	s13 =	smax.u32 s13, $0x1;
	s20 =	sshrl.u32 s5, $0x3  }
0xd: {  	s12 =	sadd.s32 s7, s6;
	s6 =	sadd.s32 $0x4000, s5;
	s7 =	sadd.s32 $0x8000, s5  }
0xe: {  	v0 =	vimm.f32 $0.0e+00;
	s10 =	sadd.s32 $0x18400, s11;
	s11 =	sadd.s32 $0x4400, s11;
	s12 =	sadd.s32 $0x49600, s12  }
.LBB2_1:
0xf: {  	s21 =	simm.s32 $0x0;
	s22 =	simm.s32 $0x200  }
.LBB2_2:
0x10: {  	p0 =	sne.s32 s22, $0xFE00;
	[tilespmem:s21+$0x5070] =	vst v0  }
0x11: {  	[tilespmem:s21+$0x5000] =	vst v0  }
0x12: {  	[tilespmem:s21+$0x5010] =	vst v0  }
.Ltmp0:
0x13: {  	[tilespmem:s21+$0x5020] =	vst v0;
	(pc) =	sbr.rel @p0 .LBB2_2-.Ltmp0, $4  }
0x14: {  	[tilespmem:s21+$0x5030] =	vst v0  }
0x15: {  	[tilespmem:s21+$0x5040] =	vst v0  }
0x16: {  	[tilespmem:s21+$0x5050] =	vst v0  }
0x17: {  	[tilespmem:s21+$0x5060] =	vst v0;
	s21 =	sshra.s32 s22, $0x2;
	s22 =	sadd.s32 $0x200, s22  }
0x18: {  	[tilespmem:s21+$0x5070] =	vst v0  }
0x19: {  	[tilespmem:s21+$0x5000] =	vst v0  }
0x1a: {  	[tilespmem:s21+$0x5010] =	vst v0  }
0x1b: {  	[tilespmem:s21+$0x5020] =	vst v0  }
0x1c: {  	[tilespmem:s21+$0x5030] =	vst v0  }
0x1d: {  	[tilespmem:s21+$0x5040] =	vst v0  }
0x1e: {  	[tilespmem:s21+$0x5050] =	vst v0  }
0x1f: {  	[tilespmem:s21+$0x5060] =	vst v0  }
0x20: {  	[spmem:s5] =	stream.linear.scatter [tilespmem:s14], [sflag:$0x2], $0x4000, $0x38;
	[tilespmem:$0x1D000] =	vst v63  }
0x21: {  	_ =	swait.ge [sflag:s15], $0x4000  }
0x22: {  	[sflag:s15] =	ssyncset.done $0x0  }
0x23: {  	[sflag:s15] =	ssyncadd.s32 $0xFFFFC000  }
0x24: {  	[spmem:s6] =	stream.linear.scatter [tilespmem:s14], [sflag:$0x2], $0x4000, $0x38;
	[tilespmem:$0x1D000] =	vst v63  }
0x25: {  	_ =	swait.ge [sflag:s15], $0x4000  }
0x26: {  	[sflag:s15] =	ssyncset.done $0x0  }
0x27: {  	[sflag:s15] =	ssyncadd.s32 $0xFFFFC000  }
0x28: {  	[spmem:s7] =	stream.linear.scatter [tilespmem:s14], [sflag:$0x2], $0x4000, $0x38;
	[tilespmem:$0x1D000] =	vst v63  }
0x29: {  	_ =	swait.ge [sflag:s15], $0x4000  }
0x2a: {  	[sflag:s15] =	ssyncset.done $0x0  }
0x2b: {  	[sflag:s15] =	ssyncadd.s32 $0xFFFFC000  }
0x2c: {  	[spmem:s8] =	stream.linear.scatter [tilespmem:s14], [sflag:$0x2], $0x4000, $0x38;
	[tilespmem:$0x1D000] =	vst v63  }
0x2d: {  	_ =	swait.ge [sflag:s15], $0x4000  }
0x2e: {  	[sflag:s15] =	ssyncset.done $0x0  }
0x2f: {  	[sflag:s15] =	ssyncadd.s32 $0xFFFFC000  }
0x30: {  	[spmem:s9] =	stream.linear.scatter [tilespmem:s14], [sflag:$0x2], $0x4000, $0x38;
	[tilespmem:$0x1D000] =	vst v63  }
0x31: {  	_ =	swait.ge [sflag:s15], $0x4000  }
0x32: {  	[sflag:s15] =	ssyncset.done $0x0  }
0x33: {  	[sflag:s15] =	ssyncadd.s32 $0xFFFFC000  }
0x34: {  	s29 =	simm.s32 $0x0;
	[bflag:$0x0] =	sbarrier.arrive $0xFFFF  }
0x35: {  	[tilespmem:s29], [sflag:$0x2] =	stream.linear.gather [hbm4b:s10+s29], $0x2780, $0x38;
	[tilespmem:$0x1D000] =	vst v63  }
0x36: {  	_ =	swait.ge [sflag:s15], $0x2780  }
0x37: {  	[sflag:s15] =	ssyncset.done $0x0  }
0x38: {  	[sflag:s15] =	ssyncadd.s32 $0xFFFFD880  }
0x39: {  	[tilespmem:s16], [sflag:$0x2] =	stream.linear.gather [hbm4b:s11+s29], $0x2780, $0x38;
	[tilespmem:$0x1D000] =	vst v63  }
0x3a: {  	_ =	swait.ge [sflag:s15], $0x2780  }
0x3b: {  	[sflag:s15] =	ssyncset.done $0x0  }
0x3c: {  	s30 =	simm.s32 $0x0;
	[sflag:s15] =	ssyncadd.s32 $0xFFFFD880  }
0x3d: {  	[tilespmem:s14], [sflag:$0x1] =	stream.indirect.gather [hbm4b:s4+s17], $0x80, s30, s17, $0xb8;
	[tilespmem:$0x1D000] =	vst v63  }
0x3e: {  	_ =	swait.ge [sflag:s18], $0x4000  }
0x3f: {  	[sflag:s18] =	ssyncset.done $0x0  }
0x40: {  	s31 =	simm.s32 $0x2800;
	[sflag:s18] =	ssyncadd.s32 $0xFFFFC000  }
0x41: {  	[spmem:s2] =	stream.indirect.scatter.add.f32 [tilespmem:s14], [sflag:$0x2], $0x80, s31, s17, $0xb8;
	[tilespmem:$0x1D000] =	vst v63  }
0x42: {  	_ =	swait.ge [sflag:s15], $0x4000  }
0x43: {  	s21 =	simm.s32 $0x200;
	s22 =	simm.s32 $0x400;
	[sflag:s15] =	ssyncset.done $0x0  }
.LBB2_4:
0x44: {  	s23 =	sshra.s32 s21, $0x2  }
0x45: {  	[sflag:s15] =	ssyncadd.s32 $0xFFFFC000;
	s21 =	smov.u32 s22;
	s24 =	sadd.s32 $0x200, s22  }
0x46: {  	[tilespmem:s14], [sflag:$0x1] =	stream.indirect.gather [hbm4b:s4+s17], $0x80, s23, s17, $0xb8;
	[tilespmem:$0x1D000] =	vst v63  }
0x47: {  	p0 =	sne.s32 s22, $0x9C00;
	_ =	swait.ge [sflag:s18], $0x4000  }
.Ltmp1:
0x48: {  	[sflag:s18] =	ssyncset.done $0x0;
	(pc) =	sbr.rel @p0 .LBB2_4-.Ltmp1, $4  }
0x49: {  	s22 =	sadd.s32 $0x2800, s23;
	[sflag:s18] =	ssyncadd.s32 $0xFFFFC000  }
0x4a: {  	[spmem:s2] =	stream.indirect.scatter.add.f32 [tilespmem:s14], [sflag:$0x2], $0x80, s22, s17, $0xb8;
	[tilespmem:$0x1D000] =	vst v63  }
0x4b: {  	_ =	swait.ge [sflag:s15], $0x4000  }
0x4c: {  	s22 =	smov.u32 s24;
	[sflag:s15] =	ssyncset.done $0x0  }
0x4d: {  	s21 =	sshra.s32 s21, $0x2;
	[sflag:s15] =	ssyncadd.s32 $0xFFFFC000  }
0x4e: {  	[tilespmem:s14], [sflag:$0x1] =	stream.indirect.gather [hbm4b:s4+s17], $0x80, s21, s17, $0xb8;
	[tilespmem:$0x1D000] =	vst v63  }
0x4f: {  	_ =	swait.ge [sflag:s18], $0x4000  }
0x50: {  	[sflag:s18] =	ssyncset.done $0x0  }
0x51: {  	s21 =	sadd.s32 $0x2800, s21;
	[sflag:s18] =	ssyncadd.s32 $0xFFFFC000  }
0x52: {  	[spmem:s2] =	stream.indirect.scatter.add.f32 [tilespmem:s14], [sflag:$0x2], $0x80, s21, s17, $0xb8;
	[tilespmem:$0x1D000] =	vst v63  }
0x53: {  	_ =	swait.ge [sflag:s15], $0x4000  }
0x54: {  	s3 =	sadd.s32 $0x1, s3;
	[sflag:s15] =	ssyncset.done $0x0  }
0x55: {  	p0 =	sne.s32 s3, s13;
	[sflag:s15] =	ssyncadd.s32 $0xFFFFC000  }
.Ltmp2:
0x56: {  	[bflag:$0x0] =	sbarrier.arrive $0xFFFF;
	(pc) =	sbr.rel @p0 .LBB2_1-.Ltmp2, $4  }
0x57: {  	[hbm:s12], [sflag:s19] =	dma.local [spmem:s20], $0x2800  }
0x58: {  	_ =	swait.ge [sflag:s15], $0x2800  }
0x59: {  	[sflag:s15] =	ssyncset.done $0x0  }
0x5a: {  	[sflag:s15] =	ssyncadd.s32 $0xFFFFD800  }
0x5b: {  	_ =	sfence.sel $0x180000  }
0x5c: {  	[bflag:$0x0] =	sbarrier.arrive $0xFFFF  }
0x5d: {  	p0 =	sne.s32 s0, $0x0;
	_ =	strace $0x9000004A  }
0x5e: {  	s0 =	sadd.s32 @!p0 $0x100000, s1;
	[bflag:$0x2] =	sbarrier.arrive $0xFFFF  }
0x5f: {  	[sflag:s0] =	ssyncadd.tile.s32 @!p0 $0x1;
	_ =	shalt  }
.Lfunc_end2:
_tile_overlayer_lowered:
.L_overlay_start_2:
0x60: {  	(tag) =	ssettag $0x2  }
0x61: {  	s0 =	rddreg [dreg:$0x0];
	s2 =	stileid.u32  }
0x62: {  	s1 =	rddreg [dreg:$0x1];
	p0 =	sne.s32 s2, $0x0  }
0x63: {  	s3 =	rddreg [dreg:$0x2];
	[bflag:$0x3] =	sbarrier.arrive $0xFFFF;
	s2 =	simm.s32 @!p0 $0x1C02  }
0x64: {  	[timem:s3], [sflag:s2] =	dma.local @!p0 [hbm:s0], s1  }
0x65: {  	s0 =	simm.s32 @!p0 $0x2  }
0x66: {  	_ =	swait.ge @!p0 [sflag:s0], s1  }
0x67: {  	s1 =	ssub.s32 @!p0 $0x0, s1;
	[sflag:s0] =	ssyncset.done @!p0 $0x0  }
0x68: {  	[sflag:s0] =	ssyncadd.s32 @!p0 s1  }
0x69: {  	[bflag:$0x3] =	sbarrier.arrive $0xFFFF  }
0x6a: {  	_ =	shalt  }

// kernel: kernel.17.cloned.1.call-start
scs
__scs_entry_jumppad:
0x0: {  	(pc) =	sbr.rel $0x88, $3  }
0x1: {  	(tag) =	ssettag $0x0;
	lr =	simm.s32 $0x1  }
0x2: {  	[smem:$0x3F8E] =	sst lr;
	_ =	strace $0xD0000000  }
0x3: {  	_ = 	snop  }
0x4: {  	_ = 	snop  }
0x5: {  	_ = 	snop  }
0x6: {  	_ = 	snop  }
0x7: {  	_ = 	snop  }
__scs_overlays_trampoline_lowered:
0x8: {  	[smem:$0x3F9D] =	sst s0  }
0x9: {  	[smem:$0x3F9E] =	sst s1  }
0xa: {  	[smem:$0x3F9F] =	sst s2  }
0xb: {  	[smem:$0x3FA0] =	sst s3  }
0xc: {  	[smem:$0x3FA1] =	sst s4  }
0xd: {  	[smem:$0x3FA2] =	sst s5  }
0xe: {  	[smem:$0x3FA3] =	sst s6  }
0xf: {  	[smem:$0x3FA4] =	sst s7  }
0x10: {  	[smem:$0x3FA5] =	sst s8  }
0x11: {  	[smem:$0x3FA6] =	sst s9;
	s0 =	simm.s32 @!p0 $0x0  }
0x12: {  	s1 =	sld [smem:$0x3F8C];
	s0 =	simm.s32 @p0 $0x1  }
0x13: {  	[smem:$0x3FA7] =	sst s0;
	s0 =	simm.s32 @!p1 $0x0  }
0x14: {  	s2 =	sld [smem:$0x3F8B];
	s0 =	simm.s32 @p1 $0x1  }
0x15: {  	[smem:$0x3FA8] =	sst s0;
	s0 =	simm.s32 @!p2 $0x0  }
0x16: {  	s3 =	sld [smem:$0x3FDB];
	s0 =	simm.s32 @p2 $0x1  }
0x17: {  	s4 =	simm.s32 $0x1BF5;
	[smem:$0x3FAA] =	sst s0  }
0x18: {  	s0 =	sld [smem:$0x3F8D];
	_ =	swait.ge [sflag:s4], $0x0  }
0x19: {  	s7 =	sld [smem:$0x3F8E]  }
0x1a: {  	s8 =	sadd.s32 $0xFFFFE003, lr  }
0x1b: {  	s9 =	sadd.s32 $0xFFFFFEF7, lr;
	s5 =	simm.s32 $0xFFFFFFFF;
	p2 =	slt.u32 s8, $0xFFFFF086  }
0x1c: {  	p1 =	slt.u32 s9, $0xF7A;
	s5 =	simm.s32 @!p2 $0x0  }
0x1d: {  	s5 =	simm.s32 @p1 $0x1;
	p0 =	seq.s32 s7, s2  }
0x1e: {  	s7 =	smul.u32 @!p0 $0xF7A, s2;
	p2 =	seq.s32 @!p0 s5, $0x0  }
0x1f: {  	s9 =	smul.u32 $0xF7A, s1;
	s8 =	simm.s32 @!p0 $0x1BF5;
	p2 =	por !p2, p0  }
0x20: {  	[sflag:s8] =	ssyncset.s32 @!p0 $0xFFFFF086;
	s6 =	sadd.s32 @!p0 s3, s7;
	s7 =	simm.s32 @!p0 $0x108  }
0x21: {  	s3 =	sadd.s32 s3, s9;
	s6 =	sadd.s32 @!p0 $0x88, s6;
	s7 =	simm.s32 @p2 $0x1082  }
0x22: {  	[simem:s7], [sflag:s8] =	dma.local @!p0 [hbm:s6], $0xF7A  }
0x23: {  	s9 =	sor.u32 $0xD0000000, s2;
	s6 =	simm.s32 $0x108;
	_ =	swait.ge @!p0 [sflag:s8], $0x0  }
0x24: {  	s3 =	sadd.s32 $0x88, s3;
	s6 =	simm.s32 @!p1 $0x1082;
	[sflag:s4] =	ssyncset.s32 $0xFFFFF086  }
0x25: {  	[simem:s6], [sflag:s4] =	dma.local [hbm:s3], $0xF7A  }
0x26: {  	[smem:$0x3F8E] =	sst s1;
	(tag) =	ssettag s2;
	_ =	strace s9  }
0x27: {  	s1 =	sld [smem:$0x3F9E]  }
0x28: {  	s2 =	sld [smem:$0x3F9F]  }
0x29: {  	s4 =	sld [smem:$0x3FA1]  }
0x2a: {  	p0 =	seq.s32 s5, $0x0;
	s5 =	sld [smem:$0x3FA2]  }
0x2b: {  	s6 =	sld [smem:$0x3FA3]  }
0x2c: {  	s7 =	sld [smem:$0x3FA4]  }
0x2d: {  	s3 =	simm.s32 $0x108;
	s8 =	sld [smem:$0x3FA5]  }
0x2e: {  	s3 =	simm.s32 @!p0 $0x1082;
	s9 =	sld [smem:$0x3FA6]  }
0x2f: {  	lr =	sadd.s32 s0, s3;
	s0 =	sld [smem:$0x3F9D]  }
0x30: {  	s3 =	sld [smem:$0x3FA0]  }
0x31: {  	[smem:$0x3FA9] =	sst s10  }
0x32: {  	s10 =	sld [smem:$0x3FA7];
	_ =	sdelay $0x3  }
0x33: {  	p0 =	seq.s32 s10, $0x1;
	s10 =	sld [smem:$0x3FA9];
	_ =	sdelay $0x3  }
0x34: {  	[smem:$0x3FA9] =	sst s10  }
0x35: {  	s10 =	sld [smem:$0x3FA8];
	_ =	sdelay $0x3  }
0x36: {  	p1 =	seq.s32 s10, $0x1;
	s10 =	sld [smem:$0x3FA9];
	_ =	sdelay $0x3  }
0x37: {  	[smem:$0x3FA9] =	sst s10  }
0x38: {  	s10 =	sld [smem:$0x3FAA]  }
0x39: {  	_ = 	snop;
	(pc) =	sbr.ind lr, $3  }
0x3a: {  	_ = 	snop  }
0x3b: {  	_ = 	snop  }
0x3c: {  	p2 =	seq.s32 s10, $0x1;
	s10 =	sld [smem:$0x3FA9]  }
0x3d: {  	_ =	shalt  }
0x3e: {  	_ =	shalt  }
0x3f: {  	_ =	shalt  }
0x40: {  	_ =	shalt  }
0x41: {  	_ =	shalt  }
0x42: {  	_ =	shalt  }
0x43: {  	_ =	shalt  }
0x44: {  	_ =	shalt  }
0x45: {  	_ =	shalt  }
0x46: {  	_ =	shalt  }
0x47: {  	_ =	shalt  }
0x48: {  	_ =	shalt  }
0x49: {  	_ =	shalt  }
0x4a: {  	_ =	shalt  }
0x4b: {  	_ =	shalt  }
0x4c: {  	_ =	shalt  }
0x4d: {  	_ =	shalt  }
0x4e: {  	_ =	shalt  }
0x4f: {  	_ =	shalt  }
0x50: {  	_ =	shalt  }
0x51: {  	_ =	shalt  }
0x52: {  	_ =	shalt  }
0x53: {  	_ =	shalt  }
0x54: {  	_ =	shalt  }
0x55: {  	_ =	shalt  }
0x56: {  	_ =	shalt  }
0x57: {  	_ =	shalt  }
0x58: {  	_ =	shalt  }
0x59: {  	_ =	shalt  }
0x5a: {  	_ =	shalt  }
0x5b: {  	_ =	shalt  }
0x5c: {  	_ =	shalt  }
0x5d: {  	_ =	shalt  }
0x5e: {  	_ =	shalt  }
0x5f: {  	_ =	shalt  }
0x60: {  	_ =	shalt  }
0x61: {  	_ =	shalt  }
0x62: {  	_ =	shalt  }
0x63: {  	_ =	shalt  }
0x64: {  	_ =	shalt  }
0x65: {  	_ =	shalt  }
0x66: {  	_ =	shalt  }
0x67: {  	_ =	shalt  }
0x68: {  	_ =	shalt  }
0x69: {  	_ =	shalt  }
0x6a: {  	_ =	shalt  }
0x6b: {  	_ =	shalt  }
0x6c: {  	_ =	shalt  }
0x6d: {  	_ =	shalt  }
0x6e: {  	_ =	shalt  }
0x6f: {  	_ =	shalt  }
0x70: {  	_ =	shalt  }
0x71: {  	_ =	shalt  }
0x72: {  	_ =	shalt  }
0x73: {  	_ =	shalt  }
0x74: {  	_ =	shalt  }
0x75: {  	_ =	shalt  }
0x76: {  	_ =	shalt  }
0x77: {  	_ =	shalt  }
0x78: {  	_ =	shalt  }
0x79: {  	_ =	shalt  }
0x7a: {  	_ =	shalt  }
0x7b: {  	_ =	shalt  }
0x7c: {  	_ =	shalt  }
0x7d: {  	_ =	shalt  }
0x7e: {  	_ =	shalt  }
0x7f: {  	_ =	shalt  }
0x80: {  	_ =	shalt  }
0x81: {  	_ =	shalt  }
0x82: {  	_ =	shalt  }
0x83: {  	_ =	shalt  }
0x84: {  	_ =	shalt  }
0x85: {  	_ =	shalt  }
0x86: {  	_ =	shalt  }
0x87: {  	_ =	shalt  }
.Lfunc_end0:
.L_simem_size_0:
called_computation.2_lowered:
.L_overlay_start_0:
0x88: {  	s2 =	sld [smem:$0x3FD9]  }
0x89: {  	s3 =	sld [smem:$0x3FFE];
	_ =	sdelay $0x1  }
0x8a: {  	s1 =	srdreg.scid  }
0x8b: {  	s0 =	sand.u32 $0x1, s1  }
0x8c: {  	s16 =	sshll.u32 s0, $0xA;
	s2 =	sadd.s32 s3, s2  }
0x8d: {  	s2 =	sadd.s32 s2, s16  }
0x8e: {  	[smem:$0x3FB5] =	sst s2  }
0x8f: {  	_ = 	snop  }
0x90: {  	(tm) =	ssettm $0x1  }
0x91: {  	s17 =	sld [smem:$0x3FFB];
	_ =	sdelay $0x3  }
0x92: {  	_ =	strace s17  }
0x93: {  	s2 =	sld [smem:$0x3FFC];
	_ =	sdelay $0x3  }
0x94: {  	_ =	strace s2  }
0x95: {  	s2 =	sld [smem:$0x3FFD];
	_ =	sdelay $0x3  }
0x96: {  	_ =	strace s2  }
0x97: {  	_ =	strace $0x8FFFFFFF  }
0x98: {  	s18 =	sld [smem:$0x3FDB];
	_ =	sdelay $0x1  }
0x99: {  	s19 =	simm.s32 $_scs_section_size  }
0x9a: {  	s4 =	simm.s32 $_size__tile_overlayer_lowered;
	s5 =	simm.s32 $_tile_overlayer_lowered  }
0x9b: {  	s22 =	simm.s32 $0x1BFF;
	s21 =	sshll.u32 s5, $0x1;
	s2 =	sadd.s32 s19, s18  }
0x9c: {  	s6 =	simm.s32 $0x0;
	s20 =	sshll.u32 s4, $0x1;
	s4 =	sadd.s32 s21, s2  }
0x9d: {  	[timem:s6], [sflag:s22] =	dma.local [hbm:s4], s20  }
0x9e: {  	_ =	swait.ge [sflag:s22], s20  }
0x9f: {  	s3 =	ssub.s32 $0x0, s20;
	[sflag:s22] =	ssyncset.done $0x0  }
0xa0: {  	[sflag:s22] =	ssyncadd.s32 s3;
	_ =	sdelay $0x1  }
0xa1: {  	s23 =	simm.s32 $0x1B8B  }
0xa2: {  	_ =	swait.ge [sflag:s23], $0x1  }
0xa3: {  	[sflag:s23] =	ssyncset.done $0x0  }
0xa4: {  	s25 =	simm.s32 $0x1B8E;
	s24 =	sld [smem:$0x3FFE];
	[sflag:s23] =	ssyncadd.s32 $0xFFFFFFFF  }
0xa5: {  	s26 =	simm.s32 $execute0_lowered;
	[smem:$0x3FD2] =	sst s25  }
0xa6: {  	s4 =	sshll.u32 s26, $0x1;
	_ =	strace $0x8000004C;
	[dreg:$0x1] =	wrdreg $0xFFFFFFFF  }
0xa7: {  	s28 =	simm.s32 $_size_execute0_lowered;
	s2 =	sadd.s32 s2, s4;
	[dreg:$0x0] =	wrdreg $0x0  }
0xa8: {  	s4 =	sshll.u32 s28, $0x1;
	[dreg:$0x2] =	wrdreg s2  }
0xa9: {  	[dreg:$0x3] =	wrdreg s4  }
0xaa: {  	[dreg:$0x4] =	wrdreg $0xC0  }
0xab: {  	_ =	task [dreg:s6], $0x5FFFF  }
0xac: {  	[dreg:$0x1] =	wrdreg $0xFFFFFFFF  }
0xad: {  	[dreg:$0x0] =	wrdreg $0x60  }
0xae: {  	[dreg:$0x2] =	wrdreg s24  }
0xaf: {  	[dreg:$0x3] =	wrdreg $0x90000  }
0xb0: {  	[dreg:$0x4] =	wrdreg $0x9  }
0xb1: {  	_ =	task.clear_ibuf [dreg:s6], $0x5FFFF;
	_ =	strace $0x9000004C  }
0xb2: {  	s29 =	simm.s32 $0x9;
	_ =	strace $0x8000004E  }
0xb3: {  	_ =	swait.ge [sflag:s29], $0x1  }
0xb4: {  	[sflag:s29] =	ssyncadd.s32 $0xFFFFFFFF  }
0xb5: {  	_ =	strace $0x9000004E  }
0xb6: {  	_ =	sfence  }
0xb7: {  	s30 =	sld [smem:$0x0];
	_ =	sdelay $0x2  }
0xb8: {  	s31 =	sshll.u32 s1, $0xD;
	s1 =	sshrl.u32 s1, $0x2  }
0xb9: {  	s3 =	sand.u32 $0x4000, s31;
	s1 =	sadd.s32 s1, s30  }
0xba: {  	s0 =	sor.u32 s3, s0;
	s1 =	sshll.u32 s1, $0x11  }
0xbb: {  	s0 =	sor.u32 s1, s0  }
0xbc: {  	s0 =	sadd.s32 $0x8F2B, s0  }
0xbd: {  	[sflag:s0] =	ssyncadd.remote.s32 $0x1  }
0xbe: {  	_ =	sfence.sel $0xFFFF  }
0xbf: {  	[dreg:$0x0] =	wrdreg $0xFFFFFFFF;
	(pc) =	sbr.abs _section_cstart, $3  }
0xc0: {  	[dreg:$0x1] =	wrdreg $0xFFFFFFFF  }
0xc1: {  	_ =	task.clear_ibuf [dreg:s6], $0x2FFFF;
	_ =	strace $0x9FFFFFFF  }
0xc2: {  	(tm) =	ssettm $0x7FFFFFFF  }
0xc3: {  	_ =	shalt  }
tec
execute0_lowered:
.L_overlay_start_1:
0x0: {  	(tag) =	ssettag $0x1  }
0x1: {  	s1 =	srdreg.scid;
	s6 =	rddreg [dreg:$0x0]  }
0x2: {  	s0 =	stileid.u32;
	s2 =	rddreg [dreg:$0x1];
	s3 =	simm.s32 $0x0  }
0x3: {  	s14 =	simm.s32 $0x5000;
	s15 =	simm.s32 $0x2;
	s16 =	simm.s32 $0x2800  }
0x4: {  	s17 =	simm.s32 $0x80;
	s18 =	simm.s32 $0x1;
	s5 =	sand.u32 $0x1, s1  }
0x5: {  	s26 =	sshll.u32 s0, $0x1;
	s9 =	smul.u32 $0x14000, s0;
	[smem:$0x7FF] =	sst s3  }
0x6: {  	s10 =	smul.u32 $0x50000, s0;
	s4 =	sadd.s32 $0x22400, s6;
	s19 =	sshll.u32 s0, $0x6  }
0x7: {  	s1 =	sor.u32 s5, s26;
	s8 =	smul.u32 $0x140000, s5;
	s29 =	ssub.s32 $0x2, s5  }
0x8: {  	s19 =	sor.u32 $0x1C02, s19;
	s7 =	smul.u32 $0x500, s1;
	s1 =	rddreg [dreg:$0x2]  }
0x9: {  	_ =	strace $0x8000004D;
	s30 =	sshrl.u32 s10, $0x2;
	s31 =	sshrl.u32 s29, $0x1  }
0xa: {  	s28 =	sadd.s32 s9, s8;
	s5 =	sadd.s32 s30, s2;
	s13 =	ssub.s32 s29, s31  }
0xb: {  	s11 =	sadd.s32 s7, s6;
	s7 =	sshrl.u32 s28, $0x3;
	s8 =	sadd.s32 $0xC000, s5  }
0xc: {  	s9 =	sadd.s32 $0x10000, s5;
	s13 =	smax.u32 s13, $0x1;
	s20 =	sshrl.u32 s5, $0x3  }
0xd: {  	s12 =	sadd.s32 s7, s6;
	s6 =	sadd.s32 $0x4000, s5;
	s7 =	sadd.s32 $0x8000, s5  }
0xe: {  	v0 =	vimm.f32 $0.0e+00;
	s10 =	sadd.s32 $0x18400, s11;
	s11 =	sadd.s32 $0x4400, s11;
	s12 =	sadd.s32 $0x49600, s12  }
.LBB2_1:
0xf: {  	s21 =	simm.s32 $0x0;
	s22 =	simm.s32 $0x200  }
.LBB2_2:
0x10: {  	p0 =	sne.s32 s22, $0xFE00;
	[tilespmem:s21+$0x5070] =	vst v0  }
0x11: {  	[tilespmem:s21+$0x5000] =	vst v0  }
0x12: {  	[tilespmem:s21+$0x5010] =	vst v0  }
.Ltmp0:
0x13: {  	[tilespmem:s21+$0x5020] =	vst v0;
	(pc) =	sbr.rel @p0 .LBB2_2-.Ltmp0, $4  }
0x14: {  	[tilespmem:s21+$0x5030] =	vst v0  }
0x15: {  	[tilespmem:s21+$0x5040] =	vst v0  }
0x16: {  	[tilespmem:s21+$0x5050] =	vst v0  }
0x17: {  	[tilespmem:s21+$0x5060] =	vst v0;
	s21 =	sshra.s32 s22, $0x2;
	s22 =	sadd.s32 $0x200, s22  }
0x18: {  	[tilespmem:s21+$0x5070] =	vst v0  }
0x19: {  	[tilespmem:s21+$0x5000] =	vst v0  }
0x1a: {  	[tilespmem:s21+$0x5010] =	vst v0  }
0x1b: {  	[tilespmem:s21+$0x5020] =	vst v0  }
0x1c: {  	[tilespmem:s21+$0x5030] =	vst v0  }
0x1d: {  	[tilespmem:s21+$0x5040] =	vst v0  }
0x1e: {  	[tilespmem:s21+$0x5050] =	vst v0  }
0x1f: {  	[tilespmem:s21+$0x5060] =	vst v0  }
0x20: {  	[spmem:s5] =	stream.linear.scatter [tilespmem:s14], [sflag:$0x2], $0x4000, $0x38;
	[tilespmem:$0x1D000] =	vst v63  }
0x21: {  	_ =	swait.ge [sflag:s15], $0x4000  }
0x22: {  	[sflag:s15] =	ssyncset.done $0x0  }
0x23: {  	[sflag:s15] =	ssyncadd.s32 $0xFFFFC000  }
0x24: {  	[spmem:s6] =	stream.linear.scatter [tilespmem:s14], [sflag:$0x2], $0x4000, $0x38;
	[tilespmem:$0x1D000] =	vst v63  }
0x25: {  	_ =	swait.ge [sflag:s15], $0x4000  }
0x26: {  	[sflag:s15] =	ssyncset.done $0x0  }
0x27: {  	[sflag:s15] =	ssyncadd.s32 $0xFFFFC000  }
0x28: {  	[spmem:s7] =	stream.linear.scatter [tilespmem:s14], [sflag:$0x2], $0x4000, $0x38;
	[tilespmem:$0x1D000] =	vst v63  }
0x29: {  	_ =	swait.ge [sflag:s15], $0x4000  }
0x2a: {  	[sflag:s15] =	ssyncset.done $0x0  }
0x2b: {  	[sflag:s15] =	ssyncadd.s32 $0xFFFFC000  }
0x2c: {  	[spmem:s8] =	stream.linear.scatter [tilespmem:s14], [sflag:$0x2], $0x4000, $0x38;
	[tilespmem:$0x1D000] =	vst v63  }
0x2d: {  	_ =	swait.ge [sflag:s15], $0x4000  }
0x2e: {  	[sflag:s15] =	ssyncset.done $0x0  }
0x2f: {  	[sflag:s15] =	ssyncadd.s32 $0xFFFFC000  }
0x30: {  	[spmem:s9] =	stream.linear.scatter [tilespmem:s14], [sflag:$0x2], $0x4000, $0x38;
	[tilespmem:$0x1D000] =	vst v63  }
0x31: {  	_ =	swait.ge [sflag:s15], $0x4000  }
0x32: {  	[sflag:s15] =	ssyncset.done $0x0  }
0x33: {  	[sflag:s15] =	ssyncadd.s32 $0xFFFFC000  }
0x34: {  	s29 =	simm.s32 $0x0;
	[bflag:$0x0] =	sbarrier.arrive $0xFFFF  }
0x35: {  	[tilespmem:s29], [sflag:$0x2] =	stream.linear.gather [hbm4b:s10+s29], $0x2780, $0x38;
	[tilespmem:$0x1D000] =	vst v63  }
0x36: {  	_ =	swait.ge [sflag:s15], $0x2780  }
0x37: {  	[sflag:s15] =	ssyncset.done $0x0  }
0x38: {  	[sflag:s15] =	ssyncadd.s32 $0xFFFFD880  }
0x39: {  	[tilespmem:s16], [sflag:$0x2] =	stream.linear.gather [hbm4b:s11+s29], $0x2780, $0x38;
	[tilespmem:$0x1D000] =	vst v63  }
0x3a: {  	_ =	swait.ge [sflag:s15], $0x2780  }
0x3b: {  	[sflag:s15] =	ssyncset.done $0x0  }
0x3c: {  	s30 =	simm.s32 $0x0;
	[sflag:s15] =	ssyncadd.s32 $0xFFFFD880  }
0x3d: {  	[tilespmem:s14], [sflag:$0x1] =	stream.indirect.gather [hbm4b:s4+s17], $0x80, s30, s17, $0xb8;
	[tilespmem:$0x1D000] =	vst v63  }
0x3e: {  	_ =	swait.ge [sflag:s18], $0x4000  }
0x3f: {  	[sflag:s18] =	ssyncset.done $0x0  }
0x40: {  	s31 =	simm.s32 $0x2800;
	[sflag:s18] =	ssyncadd.s32 $0xFFFFC000  }
0x41: {  	[spmem:s2] =	stream.indirect.scatter.add.f32 [tilespmem:s14], [sflag:$0x2], $0x80, s31, s17, $0xb8;
	[tilespmem:$0x1D000] =	vst v63  }
0x42: {  	_ =	swait.ge [sflag:s15], $0x4000  }
0x43: {  	s21 =	simm.s32 $0x200;
	s22 =	simm.s32 $0x400;
	[sflag:s15] =	ssyncset.done $0x0  }
.LBB2_4:
0x44: {  	s23 =	sshra.s32 s21, $0x2  }
0x45: {  	[sflag:s15] =	ssyncadd.s32 $0xFFFFC000;
	s21 =	smov.u32 s22;
	s24 =	sadd.s32 $0x200, s22  }
0x46: {  	[tilespmem:s14], [sflag:$0x1] =	stream.indirect.gather [hbm4b:s4+s17], $0x80, s23, s17, $0xb8;
	[tilespmem:$0x1D000] =	vst v63  }
0x47: {  	p0 =	sne.s32 s22, $0x9C00;
	_ =	swait.ge [sflag:s18], $0x4000  }
.Ltmp1:
0x48: {  	[sflag:s18] =	ssyncset.done $0x0;
	(pc) =	sbr.rel @p0 .LBB2_4-.Ltmp1, $4  }
0x49: {  	s22 =	sadd.s32 $0x2800, s23;
	[sflag:s18] =	ssyncadd.s32 $0xFFFFC000  }
0x4a: {  	[spmem:s2] =	stream.indirect.scatter.add.f32 [tilespmem:s14], [sflag:$0x2], $0x80, s22, s17, $0xb8;
	[tilespmem:$0x1D000] =	vst v63  }
0x4b: {  	_ =	swait.ge [sflag:s15], $0x4000  }
0x4c: {  	s22 =	smov.u32 s24;
	[sflag:s15] =	ssyncset.done $0x0  }
0x4d: {  	s21 =	sshra.s32 s21, $0x2;
	[sflag:s15] =	ssyncadd.s32 $0xFFFFC000  }
0x4e: {  	[tilespmem:s14], [sflag:$0x1] =	stream.indirect.gather [hbm4b:s4+s17], $0x80, s21, s17, $0xb8;
	[tilespmem:$0x1D000] =	vst v63  }
0x4f: {  	_ =	swait.ge [sflag:s18], $0x4000  }
0x50: {  	[sflag:s18] =	ssyncset.done $0x0  }
0x51: {  	s21 =	sadd.s32 $0x2800, s21;
	[sflag:s18] =	ssyncadd.s32 $0xFFFFC000  }
0x52: {  	[spmem:s2] =	stream.indirect.scatter.add.f32 [tilespmem:s14], [sflag:$0x2], $0x80, s21, s17, $0xb8;
	[tilespmem:$0x1D000] =	vst v63  }
0x53: {  	_ =	swait.ge [sflag:s15], $0x4000  }
0x54: {  	s3 =	sadd.s32 $0x1, s3;
	[sflag:s15] =	ssyncset.done $0x0  }
0x55: {  	p0 =	sne.s32 s3, s13;
	[sflag:s15] =	ssyncadd.s32 $0xFFFFC000  }
.Ltmp2:
0x56: {  	[bflag:$0x0] =	sbarrier.arrive $0xFFFF;
	(pc) =	sbr.rel @p0 .LBB2_1-.Ltmp2, $4  }
0x57: {  	[hbm:s12], [sflag:s19] =	dma.local [spmem:s20], $0x2800  }
0x58: {  	_ =	swait.ge [sflag:s15], $0x2800  }
0x59: {  	[sflag:s15] =	ssyncset.done $0x0  }
0x5a: {  	[sflag:s15] =	ssyncadd.s32 $0xFFFFD800  }
0x5b: {  	_ =	sfence.sel $0x180000  }
0x5c: {  	[bflag:$0x0] =	sbarrier.arrive $0xFFFF  }
0x5d: {  	p0 =	sne.s32 s0, $0x0;
	_ =	strace $0x9000004D  }
0x5e: {  	s0 =	sadd.s32 @!p0 $0x100000, s1;
	[bflag:$0x2] =	sbarrier.arrive $0xFFFF  }
0x5f: {  	[sflag:s0] =	ssyncadd.tile.s32 @!p0 $0x1;
	_ =	shalt  }
.Lfunc_end2:
_tile_overlayer_lowered:
.L_overlay_start_2:
0x60: {  	(tag) =	ssettag $0x2  }
0x61: {  	s0 =	rddreg [dreg:$0x0];
	s2 =	stileid.u32  }
0x62: {  	s1 =	rddreg [dreg:$0x1];
	p0 =	sne.s32 s2, $0x0  }
0x63: {  	s3 =	rddreg [dreg:$0x2];
	[bflag:$0x3] =	sbarrier.arrive $0xFFFF;
	s2 =	simm.s32 @!p0 $0x1C02  }
0x64: {  	[timem:s3], [sflag:s2] =	dma.local @!p0 [hbm:s0], s1  }
0x65: {  	s0 =	simm.s32 @!p0 $0x2  }
0x66: {  	_ =	swait.ge @!p0 [sflag:s0], s1  }
0x67: {  	s1 =	ssub.s32 @!p0 $0x0, s1;
	[sflag:s0] =	ssyncset.done @!p0 $0x0  }
0x68: {  	[sflag:s0] =	ssyncadd.s32 @!p0 s1  }
0x69: {  	[bflag:$0x3] =	sbarrier.arrive $0xFFFF  }
0x6a: {  	_ =	shalt  }

// kernel: kernel.20.cloned.1.call-start
scs
__scs_entry_jumppad:
0x0: {  	(pc) =	sbr.rel $0x88, $3  }
0x1: {  	(tag) =	ssettag $0x0;
	lr =	simm.s32 $0x1  }
0x2: {  	[smem:$0x3F8E] =	sst lr;
	_ =	strace $0xD0000000  }
0x3: {  	_ = 	snop  }
0x4: {  	_ = 	snop  }
0x5: {  	_ = 	snop  }
0x6: {  	_ = 	snop  }
0x7: {  	_ = 	snop  }
__scs_overlays_trampoline_lowered:
0x8: {  	[smem:$0x3F9D] =	sst s0  }
0x9: {  	[smem:$0x3F9E] =	sst s1  }
0xa: {  	[smem:$0x3F9F] =	sst s2  }
0xb: {  	[smem:$0x3FA0] =	sst s3  }
0xc: {  	[smem:$0x3FA1] =	sst s4  }
0xd: {  	[smem:$0x3FA2] =	sst s5  }
0xe: {  	[smem:$0x3FA3] =	sst s6  }
0xf: {  	[smem:$0x3FA4] =	sst s7  }
0x10: {  	[smem:$0x3FA5] =	sst s8  }
0x11: {  	[smem:$0x3FA6] =	sst s9;
	s0 =	simm.s32 @!p0 $0x0  }
0x12: {  	s1 =	sld [smem:$0x3F8C];
	s0 =	simm.s32 @p0 $0x1  }
0x13: {  	[smem:$0x3FA7] =	sst s0;
	s0 =	simm.s32 @!p1 $0x0  }
0x14: {  	s2 =	sld [smem:$0x3F8B];
	s0 =	simm.s32 @p1 $0x1  }
0x15: {  	[smem:$0x3FA8] =	sst s0;
	s0 =	simm.s32 @!p2 $0x0  }
0x16: {  	s3 =	sld [smem:$0x3FDB];
	s0 =	simm.s32 @p2 $0x1  }
0x17: {  	s4 =	simm.s32 $0x1BF5;
	[smem:$0x3FAA] =	sst s0  }
0x18: {  	s0 =	sld [smem:$0x3F8D];
	_ =	swait.ge [sflag:s4], $0x0  }
0x19: {  	s7 =	sld [smem:$0x3F8E]  }
0x1a: {  	s8 =	sadd.s32 $0xFFFFE003, lr  }
0x1b: {  	s9 =	sadd.s32 $0xFFFFFEF7, lr;
	s5 =	simm.s32 $0xFFFFFFFF;
	p2 =	slt.u32 s8, $0xFFFFF086  }
0x1c: {  	p1 =	slt.u32 s9, $0xF7A;
	s5 =	simm.s32 @!p2 $0x0  }
0x1d: {  	s5 =	simm.s32 @p1 $0x1;
	p0 =	seq.s32 s7, s2  }
0x1e: {  	s7 =	smul.u32 @!p0 $0xF7A, s2;
	p2 =	seq.s32 @!p0 s5, $0x0  }
0x1f: {  	s9 =	smul.u32 $0xF7A, s1;
	s8 =	simm.s32 @!p0 $0x1BF5;
	p2 =	por !p2, p0  }
0x20: {  	[sflag:s8] =	ssyncset.s32 @!p0 $0xFFFFF086;
	s6 =	sadd.s32 @!p0 s3, s7;
	s7 =	simm.s32 @!p0 $0x108  }
0x21: {  	s3 =	sadd.s32 s3, s9;
	s6 =	sadd.s32 @!p0 $0x88, s6;
	s7 =	simm.s32 @p2 $0x1082  }
0x22: {  	[simem:s7], [sflag:s8] =	dma.local @!p0 [hbm:s6], $0xF7A  }
0x23: {  	s9 =	sor.u32 $0xD0000000, s2;
	s6 =	simm.s32 $0x108;
	_ =	swait.ge @!p0 [sflag:s8], $0x0  }
0x24: {  	s3 =	sadd.s32 $0x88, s3;
	s6 =	simm.s32 @!p1 $0x1082;
	[sflag:s4] =	ssyncset.s32 $0xFFFFF086  }
0x25: {  	[simem:s6], [sflag:s4] =	dma.local [hbm:s3], $0xF7A  }
0x26: {  	[smem:$0x3F8E] =	sst s1;
	(tag) =	ssettag s2;
	_ =	strace s9  }
0x27: {  	s1 =	sld [smem:$0x3F9E]  }
0x28: {  	s2 =	sld [smem:$0x3F9F]  }
0x29: {  	s4 =	sld [smem:$0x3FA1]  }
0x2a: {  	p0 =	seq.s32 s5, $0x0;
	s5 =	sld [smem:$0x3FA2]  }
0x2b: {  	s6 =	sld [smem:$0x3FA3]  }
0x2c: {  	s7 =	sld [smem:$0x3FA4]  }
0x2d: {  	s3 =	simm.s32 $0x108;
	s8 =	sld [smem:$0x3FA5]  }
0x2e: {  	s3 =	simm.s32 @!p0 $0x1082;
	s9 =	sld [smem:$0x3FA6]  }
0x2f: {  	lr =	sadd.s32 s0, s3;
	s0 =	sld [smem:$0x3F9D]  }
0x30: {  	s3 =	sld [smem:$0x3FA0]  }
0x31: {  	[smem:$0x3FA9] =	sst s10  }
0x32: {  	s10 =	sld [smem:$0x3FA7];
	_ =	sdelay $0x3  }
0x33: {  	p0 =	seq.s32 s10, $0x1;
	s10 =	sld [smem:$0x3FA9];
	_ =	sdelay $0x3  }
0x34: {  	[smem:$0x3FA9] =	sst s10  }
0x35: {  	s10 =	sld [smem:$0x3FA8];
	_ =	sdelay $0x3  }
0x36: {  	p1 =	seq.s32 s10, $0x1;
	s10 =	sld [smem:$0x3FA9];
	_ =	sdelay $0x3  }
0x37: {  	[smem:$0x3FA9] =	sst s10  }
0x38: {  	s10 =	sld [smem:$0x3FAA]  }
0x39: {  	_ = 	snop;
	(pc) =	sbr.ind lr, $3  }
0x3a: {  	_ = 	snop  }
0x3b: {  	_ = 	snop  }
0x3c: {  	p2 =	seq.s32 s10, $0x1;
	s10 =	sld [smem:$0x3FA9]  }
0x3d: {  	_ =	shalt  }
0x3e: {  	_ =	shalt  }
0x3f: {  	_ =	shalt  }
0x40: {  	_ =	shalt  }
0x41: {  	_ =	shalt  }
0x42: {  	_ =	shalt  }
0x43: {  	_ =	shalt  }
0x44: {  	_ =	shalt  }
0x45: {  	_ =	shalt  }
0x46: {  	_ =	shalt  }
0x47: {  	_ =	shalt  }
0x48: {  	_ =	shalt  }
0x49: {  	_ =	shalt  }
0x4a: {  	_ =	shalt  }
0x4b: {  	_ =	shalt  }
0x4c: {  	_ =	shalt  }
0x4d: {  	_ =	shalt  }
0x4e: {  	_ =	shalt  }
0x4f: {  	_ =	shalt  }
0x50: {  	_ =	shalt  }
0x51: {  	_ =	shalt  }
0x52: {  	_ =	shalt  }
0x53: {  	_ =	shalt  }
0x54: {  	_ =	shalt  }
0x55: {  	_ =	shalt  }
0x56: {  	_ =	shalt  }
0x57: {  	_ =	shalt  }
0x58: {  	_ =	shalt  }
0x59: {  	_ =	shalt  }
0x5a: {  	_ =	shalt  }
0x5b: {  	_ =	shalt  }
0x5c: {  	_ =	shalt  }
0x5d: {  	_ =	shalt  }
0x5e: {  	_ =	shalt  }
0x5f: {  	_ =	shalt  }
0x60: {  	_ =	shalt  }
0x61: {  	_ =	shalt  }
0x62: {  	_ =	shalt  }
0x63: {  	_ =	shalt  }
0x64: {  	_ =	shalt  }
0x65: {  	_ =	shalt  }
0x66: {  	_ =	shalt  }
0x67: {  	_ =	shalt  }
0x68: {  	_ =	shalt  }
0x69: {  	_ =	shalt  }
0x6a: {  	_ =	shalt  }
0x6b: {  	_ =	shalt  }
0x6c: {  	_ =	shalt  }
0x6d: {  	_ =	shalt  }
0x6e: {  	_ =	shalt  }
0x6f: {  	_ =	shalt  }
0x70: {  	_ =	shalt  }
0x71: {  	_ =	shalt  }
0x72: {  	_ =	shalt  }
0x73: {  	_ =	shalt  }
0x74: {  	_ =	shalt  }
0x75: {  	_ =	shalt  }
0x76: {  	_ =	shalt  }
0x77: {  	_ =	shalt  }
0x78: {  	_ =	shalt  }
0x79: {  	_ =	shalt  }
0x7a: {  	_ =	shalt  }
0x7b: {  	_ =	shalt  }
0x7c: {  	_ =	shalt  }
0x7d: {  	_ =	shalt  }
0x7e: {  	_ =	shalt  }
0x7f: {  	_ =	shalt  }
0x80: {  	_ =	shalt  }
0x81: {  	_ =	shalt  }
0x82: {  	_ =	shalt  }
0x83: {  	_ =	shalt  }
0x84: {  	_ =	shalt  }
0x85: {  	_ =	shalt  }
0x86: {  	_ =	shalt  }
0x87: {  	_ =	shalt  }
.Lfunc_end0:
.L_simem_size_0:
called_computation.3_lowered:
.L_overlay_start_0:
0x88: {  	s2 =	sld [smem:$0x3FD9]  }
0x89: {  	s3 =	sld [smem:$0x3FFE];
	_ =	sdelay $0x1  }
0x8a: {  	s1 =	srdreg.scid  }
0x8b: {  	s0 =	sand.u32 $0x1, s1  }
0x8c: {  	s16 =	sshll.u32 s0, $0xA;
	s2 =	sadd.s32 s3, s2  }
0x8d: {  	s2 =	sadd.s32 s2, s16  }
0x8e: {  	[smem:$0x3FB5] =	sst s2  }
0x8f: {  	_ = 	snop  }
0x90: {  	(tm) =	ssettm $0x1  }
0x91: {  	s17 =	sld [smem:$0x3FFB];
	_ =	sdelay $0x3  }
0x92: {  	_ =	strace s17  }
0x93: {  	s2 =	sld [smem:$0x3FFC];
	_ =	sdelay $0x3  }
0x94: {  	_ =	strace s2  }
0x95: {  	s2 =	sld [smem:$0x3FFD];
	_ =	sdelay $0x3  }
0x96: {  	_ =	strace s2  }
0x97: {  	_ =	strace $0x8FFFFFFF  }
0x98: {  	s18 =	sld [smem:$0x3FDB];
	_ =	sdelay $0x1  }
0x99: {  	s19 =	simm.s32 $_scs_section_size  }
0x9a: {  	s4 =	simm.s32 $_size__tile_overlayer_lowered;
	s5 =	simm.s32 $_tile_overlayer_lowered  }
0x9b: {  	s22 =	simm.s32 $0x1BFF;
	s21 =	sshll.u32 s5, $0x1;
	s2 =	sadd.s32 s19, s18  }
0x9c: {  	s6 =	simm.s32 $0x0;
	s20 =	sshll.u32 s4, $0x1;
	s4 =	sadd.s32 s21, s2  }
0x9d: {  	[timem:s6], [sflag:s22] =	dma.local [hbm:s4], s20  }
0x9e: {  	_ =	swait.ge [sflag:s22], s20  }
0x9f: {  	s3 =	ssub.s32 $0x0, s20;
	[sflag:s22] =	ssyncset.done $0x0  }
0xa0: {  	[sflag:s22] =	ssyncadd.s32 s3;
	_ =	sdelay $0x1  }
0xa1: {  	s23 =	simm.s32 $0x1B8B  }
0xa2: {  	_ =	swait.ge [sflag:s23], $0x1  }
0xa3: {  	[sflag:s23] =	ssyncset.done $0x0  }
0xa4: {  	s25 =	simm.s32 $0x1B8E;
	s24 =	sld [smem:$0x3FFE];
	[sflag:s23] =	ssyncadd.s32 $0xFFFFFFFF  }
0xa5: {  	s26 =	simm.s32 $execute0_lowered;
	[smem:$0x3FD2] =	sst s25  }
0xa6: {  	s4 =	sshll.u32 s26, $0x1;
	_ =	strace $0x8000004F;
	[dreg:$0x1] =	wrdreg $0xFFFFFFFF  }
0xa7: {  	s28 =	simm.s32 $_size_execute0_lowered;
	s2 =	sadd.s32 s2, s4;
	[dreg:$0x0] =	wrdreg $0x0  }
0xa8: {  	s4 =	sshll.u32 s28, $0x1;
	[dreg:$0x2] =	wrdreg s2  }
0xa9: {  	[dreg:$0x3] =	wrdreg s4  }
0xaa: {  	[dreg:$0x4] =	wrdreg $0xC0  }
0xab: {  	_ =	task [dreg:s6], $0x5FFFF  }
0xac: {  	[dreg:$0x1] =	wrdreg $0xFFFFFFFF  }
0xad: {  	[dreg:$0x0] =	wrdreg $0x60  }
0xae: {  	[dreg:$0x2] =	wrdreg s24  }
0xaf: {  	[dreg:$0x3] =	wrdreg $0x90000  }
0xb0: {  	[dreg:$0x4] =	wrdreg $0x9  }
0xb1: {  	_ =	task.clear_ibuf [dreg:s6], $0x5FFFF;
	_ =	strace $0x9000004F  }
0xb2: {  	s29 =	simm.s32 $0x9;
	_ =	strace $0x80000051  }
0xb3: {  	_ =	swait.ge [sflag:s29], $0x1  }
0xb4: {  	[sflag:s29] =	ssyncadd.s32 $0xFFFFFFFF  }
0xb5: {  	_ =	strace $0x90000051  }
0xb6: {  	_ =	sfence  }
0xb7: {  	s30 =	sld [smem:$0x0];
	_ =	sdelay $0x2  }
0xb8: {  	s31 =	sshll.u32 s1, $0xD;
	s1 =	sshrl.u32 s1, $0x2  }
0xb9: {  	s3 =	sand.u32 $0x4000, s31;
	s1 =	sadd.s32 s1, s30  }
0xba: {  	s0 =	sor.u32 s3, s0;
	s1 =	sshll.u32 s1, $0x11  }
0xbb: {  	s0 =	sor.u32 s1, s0  }
0xbc: {  	s0 =	sadd.s32 $0x8F2B, s0  }
0xbd: {  	[sflag:s0] =	ssyncadd.remote.s32 $0x1  }
0xbe: {  	_ =	sfence.sel $0xFFFF  }
0xbf: {  	[dreg:$0x0] =	wrdreg $0xFFFFFFFF;
	(pc) =	sbr.abs _section_cstart, $3  }
0xc0: {  	[dreg:$0x1] =	wrdreg $0xFFFFFFFF  }
0xc1: {  	_ =	task.clear_ibuf [dreg:s6], $0x2FFFF;
	_ =	strace $0x9FFFFFFF  }
0xc2: {  	(tm) =	ssettm $0x7FFFFFFF  }
0xc3: {  	_ =	shalt  }
tec
execute0_lowered:
.L_overlay_start_1:
0x0: {  	(tag) =	ssettag $0x1  }
0x1: {  	s1 =	srdreg.scid;
	s6 =	rddreg [dreg:$0x0]  }
0x2: {  	s0 =	stileid.u32;
	s2 =	rddreg [dreg:$0x1];
	s3 =	simm.s32 $0x0  }
0x3: {  	s14 =	simm.s32 $0x5000;
	s15 =	simm.s32 $0x2;
	s16 =	simm.s32 $0x2800  }
0x4: {  	s17 =	simm.s32 $0x80;
	s18 =	simm.s32 $0x1;
	s5 =	sand.u32 $0x1, s1  }
0x5: {  	s26 =	sshll.u32 s0, $0x1;
	s9 =	smul.u32 $0x14000, s0;
	[smem:$0x7FF] =	sst s3  }
0x6: {  	s10 =	smul.u32 $0x50000, s0;
	s4 =	sadd.s32 $0x22400, s6;
	s19 =	sshll.u32 s0, $0x6  }
0x7: {  	s1 =	sor.u32 s5, s26;
	s8 =	smul.u32 $0x140000, s5;
	s29 =	ssub.s32 $0x2, s5  }
0x8: {  	s19 =	sor.u32 $0x1C02, s19;
	s7 =	smul.u32 $0x500, s1;
	s1 =	rddreg [dreg:$0x2]  }
0x9: {  	_ =	strace $0x80000050;
	s30 =	sshrl.u32 s10, $0x2;
	s31 =	sshrl.u32 s29, $0x1  }
0xa: {  	s28 =	sadd.s32 s9, s8;
	s5 =	sadd.s32 s30, s2;
	s13 =	ssub.s32 s29, s31  }
0xb: {  	s11 =	sadd.s32 s7, s6;
	s7 =	sshrl.u32 s28, $0x3;
	s8 =	sadd.s32 $0xC000, s5  }
0xc: {  	s9 =	sadd.s32 $0x10000, s5;
	s13 =	smax.u32 s13, $0x1;
	s20 =	sshrl.u32 s5, $0x3  }
0xd: {  	s12 =	sadd.s32 s7, s6;
	s6 =	sadd.s32 $0x4000, s5;
	s7 =	sadd.s32 $0x8000, s5  }
0xe: {  	v0 =	vimm.f32 $0.0e+00;
	s10 =	sadd.s32 $0x18400, s11;
	s11 =	sadd.s32 $0x4400, s11;
	s12 =	sadd.s32 $0x49600, s12  }
.LBB2_1:
0xf: {  	s21 =	simm.s32 $0x0;
	s22 =	simm.s32 $0x200  }
.LBB2_2:
0x10: {  	p0 =	sne.s32 s22, $0xFE00;
	[tilespmem:s21+$0x5070] =	vst v0  }
0x11: {  	[tilespmem:s21+$0x5000] =	vst v0  }
0x12: {  	[tilespmem:s21+$0x5010] =	vst v0  }
.Ltmp0:
0x13: {  	[tilespmem:s21+$0x5020] =	vst v0;
	(pc) =	sbr.rel @p0 .LBB2_2-.Ltmp0, $4  }
0x14: {  	[tilespmem:s21+$0x5030] =	vst v0  }
0x15: {  	[tilespmem:s21+$0x5040] =	vst v0  }
0x16: {  	[tilespmem:s21+$0x5050] =	vst v0  }
0x17: {  	[tilespmem:s21+$0x5060] =	vst v0;
	s21 =	sshra.s32 s22, $0x2;
	s22 =	sadd.s32 $0x200, s22  }
0x18: {  	[tilespmem:s21+$0x5070] =	vst v0  }
0x19: {  	[tilespmem:s21+$0x5000] =	vst v0  }
0x1a: {  	[tilespmem:s21+$0x5010] =	vst v0  }
0x1b: {  	[tilespmem:s21+$0x5020] =	vst v0  }
0x1c: {  	[tilespmem:s21+$0x5030] =	vst v0  }
0x1d: {  	[tilespmem:s21+$0x5040] =	vst v0  }
0x1e: {  	[tilespmem:s21+$0x5050] =	vst v0  }
0x1f: {  	[tilespmem:s21+$0x5060] =	vst v0  }
0x20: {  	[spmem:s5] =	stream.linear.scatter [tilespmem:s14], [sflag:$0x2], $0x4000, $0x38;
	[tilespmem:$0x1D000] =	vst v63  }
0x21: {  	_ =	swait.ge [sflag:s15], $0x4000  }
0x22: {  	[sflag:s15] =	ssyncset.done $0x0  }
0x23: {  	[sflag:s15] =	ssyncadd.s32 $0xFFFFC000  }
0x24: {  	[spmem:s6] =	stream.linear.scatter [tilespmem:s14], [sflag:$0x2], $0x4000, $0x38;
	[tilespmem:$0x1D000] =	vst v63  }
0x25: {  	_ =	swait.ge [sflag:s15], $0x4000  }
0x26: {  	[sflag:s15] =	ssyncset.done $0x0  }
0x27: {  	[sflag:s15] =	ssyncadd.s32 $0xFFFFC000  }
0x28: {  	[spmem:s7] =	stream.linear.scatter [tilespmem:s14], [sflag:$0x2], $0x4000, $0x38;
	[tilespmem:$0x1D000] =	vst v63  }
0x29: {  	_ =	swait.ge [sflag:s15], $0x4000  }
0x2a: {  	[sflag:s15] =	ssyncset.done $0x0  }
0x2b: {  	[sflag:s15] =	ssyncadd.s32 $0xFFFFC000  }
0x2c: {  	[spmem:s8] =	stream.linear.scatter [tilespmem:s14], [sflag:$0x2], $0x4000, $0x38;
	[tilespmem:$0x1D000] =	vst v63  }
0x2d: {  	_ =	swait.ge [sflag:s15], $0x4000  }
0x2e: {  	[sflag:s15] =	ssyncset.done $0x0  }
0x2f: {  	[sflag:s15] =	ssyncadd.s32 $0xFFFFC000  }
0x30: {  	[spmem:s9] =	stream.linear.scatter [tilespmem:s14], [sflag:$0x2], $0x4000, $0x38;
	[tilespmem:$0x1D000] =	vst v63  }
0x31: {  	_ =	swait.ge [sflag:s15], $0x4000  }
0x32: {  	[sflag:s15] =	ssyncset.done $0x0  }
0x33: {  	[sflag:s15] =	ssyncadd.s32 $0xFFFFC000  }
0x34: {  	s29 =	simm.s32 $0x0;
	[bflag:$0x0] =	sbarrier.arrive $0xFFFF  }
0x35: {  	[tilespmem:s29], [sflag:$0x2] =	stream.linear.gather [hbm4b:s10+s29], $0x2780, $0x38;
	[tilespmem:$0x1D000] =	vst v63  }
0x36: {  	_ =	swait.ge [sflag:s15], $0x2780  }
0x37: {  	[sflag:s15] =	ssyncset.done $0x0  }
0x38: {  	[sflag:s15] =	ssyncadd.s32 $0xFFFFD880  }
0x39: {  	[tilespmem:s16], [sflag:$0x2] =	stream.linear.gather [hbm4b:s11+s29], $0x2780, $0x38;
	[tilespmem:$0x1D000] =	vst v63  }
0x3a: {  	_ =	swait.ge [sflag:s15], $0x2780  }
0x3b: {  	[sflag:s15] =	ssyncset.done $0x0  }
0x3c: {  	s30 =	simm.s32 $0x0;
	[sflag:s15] =	ssyncadd.s32 $0xFFFFD880  }
0x3d: {  	[tilespmem:s14], [sflag:$0x1] =	stream.indirect.gather [hbm4b:s4+s17], $0x80, s30, s17, $0xb8;
	[tilespmem:$0x1D000] =	vst v63  }
0x3e: {  	_ =	swait.ge [sflag:s18], $0x4000  }
0x3f: {  	[sflag:s18] =	ssyncset.done $0x0  }
0x40: {  	s31 =	simm.s32 $0x2800;
	[sflag:s18] =	ssyncadd.s32 $0xFFFFC000  }
0x41: {  	[spmem:s2] =	stream.indirect.scatter.add.f32 [tilespmem:s14], [sflag:$0x2], $0x80, s31, s17, $0xb8;
	[tilespmem:$0x1D000] =	vst v63  }
0x42: {  	_ =	swait.ge [sflag:s15], $0x4000  }
0x43: {  	s21 =	simm.s32 $0x200;
	s22 =	simm.s32 $0x400;
	[sflag:s15] =	ssyncset.done $0x0  }
.LBB2_4:
0x44: {  	s23 =	sshra.s32 s21, $0x2  }
0x45: {  	[sflag:s15] =	ssyncadd.s32 $0xFFFFC000;
	s21 =	smov.u32 s22;
	s24 =	sadd.s32 $0x200, s22  }
0x46: {  	[tilespmem:s14], [sflag:$0x1] =	stream.indirect.gather [hbm4b:s4+s17], $0x80, s23, s17, $0xb8;
	[tilespmem:$0x1D000] =	vst v63  }
0x47: {  	p0 =	sne.s32 s22, $0x9C00;
	_ =	swait.ge [sflag:s18], $0x4000  }
.Ltmp1:
0x48: {  	[sflag:s18] =	ssyncset.done $0x0;
	(pc) =	sbr.rel @p0 .LBB2_4-.Ltmp1, $4  }
0x49: {  	s22 =	sadd.s32 $0x2800, s23;
	[sflag:s18] =	ssyncadd.s32 $0xFFFFC000  }
0x4a: {  	[spmem:s2] =	stream.indirect.scatter.add.f32 [tilespmem:s14], [sflag:$0x2], $0x80, s22, s17, $0xb8;
	[tilespmem:$0x1D000] =	vst v63  }
0x4b: {  	_ =	swait.ge [sflag:s15], $0x4000  }
0x4c: {  	s22 =	smov.u32 s24;
	[sflag:s15] =	ssyncset.done $0x0  }
0x4d: {  	s21 =	sshra.s32 s21, $0x2;
	[sflag:s15] =	ssyncadd.s32 $0xFFFFC000  }
0x4e: {  	[tilespmem:s14], [sflag:$0x1] =	stream.indirect.gather [hbm4b:s4+s17], $0x80, s21, s17, $0xb8;
	[tilespmem:$0x1D000] =	vst v63  }
0x4f: {  	_ =	swait.ge [sflag:s18], $0x4000  }
0x50: {  	[sflag:s18] =	ssyncset.done $0x0  }
0x51: {  	s21 =	sadd.s32 $0x2800, s21;
	[sflag:s18] =	ssyncadd.s32 $0xFFFFC000  }
0x52: {  	[spmem:s2] =	stream.indirect.scatter.add.f32 [tilespmem:s14], [sflag:$0x2], $0x80, s21, s17, $0xb8;
	[tilespmem:$0x1D000] =	vst v63  }
0x53: {  	_ =	swait.ge [sflag:s15], $0x4000  }
0x54: {  	s3 =	sadd.s32 $0x1, s3;
	[sflag:s15] =	ssyncset.done $0x0  }
0x55: {  	p0 =	sne.s32 s3, s13;
	[sflag:s15] =	ssyncadd.s32 $0xFFFFC000  }
.Ltmp2:
0x56: {  	[bflag:$0x0] =	sbarrier.arrive $0xFFFF;
	(pc) =	sbr.rel @p0 .LBB2_1-.Ltmp2, $4  }
0x57: {  	[hbm:s12], [sflag:s19] =	dma.local [spmem:s20], $0x2800  }
0x58: {  	_ =	swait.ge [sflag:s15], $0x2800  }
0x59: {  	[sflag:s15] =	ssyncset.done $0x0  }
0x5a: {  	[sflag:s15] =	ssyncadd.s32 $0xFFFFD800  }
0x5b: {  	_ =	sfence.sel $0x180000  }
0x5c: {  	[bflag:$0x0] =	sbarrier.arrive $0xFFFF  }
0x5d: {  	p0 =	sne.s32 s0, $0x0;
	_ =	strace $0x90000050  }
0x5e: {  	s0 =	sadd.s32 @!p0 $0x100000, s1;
	[bflag:$0x2] =	sbarrier.arrive $0xFFFF  }
0x5f: {  	[sflag:s0] =	ssyncadd.tile.s32 @!p0 $0x1;
	_ =	shalt  }
.Lfunc_end2:
_tile_overlayer_lowered:
.L_overlay_start_2:
0x60: {  	(tag) =	ssettag $0x2  }
0x61: {  	s0 =	rddreg [dreg:$0x0];
	s2 =	stileid.u32  }
0x62: {  	s1 =	rddreg [dreg:$0x1];
	p0 =	sne.s32 s2, $0x0  }
0x63: {  	s3 =	rddreg [dreg:$0x2];
	[bflag:$0x3] =	sbarrier.arrive $0xFFFF;
	s2 =	simm.s32 @!p0 $0x1C02  }
0x64: {  	[timem:s3], [sflag:s2] =	dma.local @!p0 [hbm:s0], s1  }
0x65: {  	s0 =	simm.s32 @!p0 $0x2  }
0x66: {  	_ =	swait.ge @!p0 [sflag:s0], s1  }
0x67: {  	s1 =	ssub.s32 @!p0 $0x0, s1;
	[sflag:s0] =	ssyncset.done @!p0 $0x0  }
0x68: {  	[sflag:s0] =	ssyncadd.s32 @!p0 s1  }
0x69: {  	[bflag:$0x3] =	sbarrier.arrive $0xFFFF  }
0x6a: {  	_ =	shalt  }

</sc_bundles>
